<compile_context>
chip_gen: v7x
topology: tpu7x:2x2x1
jax: 0.10.2.dev20260603
libtpu: 0.0.44.dev20260713+nightly
codegen_flags: <defaults>
</compile_context>

<pallas_src>
import functools

import jax
import jax.numpy as jnp
from jax import lax
from jax.experimental import pallas as pl
from jax.experimental.pallas import tpu as pltpu
from jax.experimental.pallas import tpu_sc as plsc

D_MODEL = 64
NUM_CORES = 2
NUM_SUBCORES = 16
NUM_WORKERS = NUM_CORES * NUM_SUBCORES
SEQ = 200
ROWS_PER_CHUNK = 2
CHUNK = ROWS_PER_CHUNK * SEQ
SEGMENTS = ((0, 0, 96), (0, 96, 104), (1, 0, 96), (1, 96, 104))


def _build_kernel(batch):
    rows_per_worker = batch // NUM_WORKERS
    steps = rows_per_worker // ROWS_PER_CHUNK
    assert steps % 2 == 0
    mesh = plsc.VectorSubcoreMesh(core_axis_name="c", subcore_axis_name="s")

    @functools.partial(
        pl.kernel,
        mesh=mesh,
        compiler_params=pltpu.CompilerParams(use_tc_tiling_on_sc=False),
        out_type=jax.ShapeDtypeStruct((batch, SEQ, D_MODEL), jnp.float32),
        scratch_types=[
            pltpu.VMEM((2, CHUNK), jnp.int32),
            pltpu.VMEM((2, CHUNK), jnp.int32),
            pltpu.VMEM((2, ROWS_PER_CHUNK, SEQ, D_MODEL), jnp.float32),
            pltpu.VMEM_SHARED((2 * SEQ, D_MODEL), jnp.float32),
            pltpu.SemaphoreType.DMA,
            pltpu.SemaphoreType.DMA,
            pltpu.SemaphoreType.DMA,
            pltpu.SemaphoreType.DMA,
        ],
    )
    def emb_kernel(src_hbm, ps_hbm, tok_tab_hbm, ps_tab_hbm, out_hbm,
                   idx_v, psidx_v, rows_v, ps_sh,
                   gsem0, gsem1, osem0, osem1):
        cid = lax.axis_index("c")
        sid = lax.axis_index("s")
        wid = sid * NUM_CORES + cid
        gsems = (gsem0, gsem1)
        osems = (osem0, osem1)

        @pl.when(sid == 0)
        def _():
            pltpu.sync_copy(ps_tab_hbm, ps_sh)

        plsc.subcore_barrier()

        def fire(s, b):
            base = (wid * steps + s) * CHUNK
            pltpu.sync_copy(src_hbm.at[pl.ds(base, CHUNK)], idx_v.at[b])
            pltpu.sync_copy(ps_hbm.at[pl.ds(base, CHUNK)], psidx_v.at[b])
            for r, c, n in SEGMENTS:
                dst = rows_v.at[b, r, pl.ds(c, n)]
                idx = idx_v.at[b, pl.ds(r * SEQ + c, n)]
                pltpu.async_copy(tok_tab_hbm.at[idx], dst, gsems[b])

        def wait_gathers(b):
            for r, c, n in SEGMENTS:
                dst = rows_v.at[b, r, pl.ds(c, n)]
                idx = idx_v.at[b, pl.ds(r * SEQ + c, n)]
                pltpu.make_async_copy(tok_tab_hbm.at[idx], dst,
                                      gsems[b]).wait()

        def wait_out(b):
            pltpu.make_async_copy(rows_v.at[b],
                                  out_hbm.at[pl.ds(0, ROWS_PER_CHUNK)],
                                  osems[b]).wait()

        def fire_ps_add(b):
            for r, c, n in SEGMENTS:
                dst = rows_v.at[b, r, pl.ds(c, n)]
                idx = psidx_v.at[b, pl.ds(r * SEQ + c, n)]
                pltpu.async_copy(ps_sh.at[idx], dst, gsems[b], add=True)

        def wait_ps_add(b):
            for r, c, n in SEGMENTS:
                dst = rows_v.at[b, r, pl.ds(c, n)]
                idx = psidx_v.at[b, pl.ds(r * SEQ + c, n)]
                pltpu.make_async_copy(ps_sh.at[idx], dst, gsems[b]).wait()

        def add_and_emit(s, b):
            fire_ps_add(b)
            wait_ps_add(b)
            row0 = wid * rows_per_worker + s * ROWS_PER_CHUNK
            pltpu.async_copy(rows_v.at[b],
                             out_hbm.at[pl.ds(row0, ROWS_PER_CHUNK)], osems[b])

        fire(0, 0)

        def body(i, carry):
            h0 = 2 * i
            wait_gathers(0)

            @pl.when(h0 + 1 < steps)
            def _():
                fire(h0 + 1, 1)

            add_and_emit(h0, 0)
            wait_gathers(1)

            @pl.when(h0 + 2 < steps)
            def _():
                wait_out(0)
                fire(h0 + 2, 0)

            add_and_emit(h0 + 1, 1)

            @pl.when(h0 + 3 < steps)
            def _():
                wait_out(1)

            return carry

        lax.fori_loop(0, steps // 2, body, 0)
        wait_out(0)
        wait_out(1)

    return emb_kernel


def kernel(src, seg, token_table, pos_table, seg_table):
    batch, seq_len = src.shape
    vocab = token_table.shape[0]
    tok2 = jnp.pad(token_table, ((0, 0), (0, D_MODEL))).reshape(
        2 * vocab, D_MODEL)
    ps_table = (pos_table[:seq_len, None, :] + seg_table[None, :, :]).reshape(
        2 * seq_len, D_MODEL)
    pos_ids = jnp.arange(seq_len, dtype=jnp.int32)
    ps_idx = (pos_ids[None, :] * 2 + seg.astype(jnp.int32)).reshape(-1)
    src_flat = (2 * src.astype(jnp.int32)).reshape(-1)
    emb = _build_kernel(batch)
    return emb(src_flat, ps_idx, tok2, ps_table)

# --- scband reference (transcript-rebuilt; emitter-appended) ---
"""Pipeline reference for scband-bertembedding-76759655514942 (READ-ONLY COPY).

The authoritative reference and input builder live on the scoring server;
editing this copy changes nothing except your own understanding.
"""

import jax, jax.numpy as jnp
import numpy as np

VOCAB_SIZE = 1000000
MAX_LEN = 512
D_MODEL = 64
BATCH = 4096
SEQ_LEN = 200

def setup_inputs(seed: int = 0) -> dict:
    key = jax.random.key(seed)
    k1, k2, k3, k4, k5 = jax.random.split(key, 5)
    src = jax.random.randint(k1, (BATCH, SEQ_LEN), 0, VOCAB_SIZE, dtype=jnp.int64 if jax.config.jax_enable_x64 else jnp.int32)
    seg = jax.random.randint(k2, (BATCH, SEQ_LEN), 0, 2, dtype=jnp.int64 if jax.config.jax_enable_x64 else jnp.int32)
    token_table = jax.random.normal(k3, (VOCAB_SIZE, D_MODEL), dtype=jnp.float32) * 0.02
    pos_table = jax.random.normal(k4, (MAX_LEN, D_MODEL), dtype=jnp.float32) * 0.02
    seg_table = jax.random.normal(k5, (2, D_MODEL), dtype=jnp.float32) * 0.02
    return {"src": src, "seg": seg, "token_table": token_table, "pos_table": pos_table, "seg_table": seg_table}

def reference(src, seg, token_table, pos_table, seg_table):
    batch_size, seq_len = src.shape
    pos_ids = jnp.broadcast_to(jnp.arange(seq_len), (batch_size, seq_len))
    token_embedding = jnp.take(token_table, src, axis=0)
    pos_embedding = jnp.take(pos_table, pos_ids, axis=0)
    seg_embedding = jnp.take(seg_table, seg, axis=0)
    embeddings = token_embedding + pos_embedding + seg_embedding
    return embeddings

if __name__ == "__main__":
    import jax
    _d = setup_inputs()
    print(jax.jit(kernel)(*tuple(_d.values())))

</pallas_src>

<mosaic_0001>
#map = affine_map<(d0, d1) -> (0)>
#map1 = affine_map<(d0, d1) -> (0, 0)>
#map2 = affine_map<(d0, d1) -> (0, 0, 0)>
module attributes {stable_mosaic.version = 14 : i64} {
  func.func @emb_kernel(%arg0: i32, %arg1: i32, %arg2: memref<819200xi32, #tpu.memory_space<hbm>>, %arg3: memref<819200xi32, #tpu.memory_space<hbm>>, %arg4: memref<2000000x64xf32, #tpu.memory_space<hbm>>, %arg5: memref<400x64xf32, #tpu.memory_space<hbm>>, %arg6: memref<4096x200x64xf32, #tpu.memory_space<hbm>>, %arg7: memref<2x400xi32, #tpu.memory_space<vmem>>, %arg8: memref<2x400xi32, #tpu.memory_space<vmem>>, %arg9: memref<2x2x200x64xf32, #tpu.memory_space<vmem>>, %arg10: memref<400x64xf32, #tpu.memory_space<vmem_shared>>, %arg11: memref<!tpu.dma_semaphore, #tpu.memory_space<semaphore_mem>>, %arg12: memref<!tpu.dma_semaphore, #tpu.memory_space<semaphore_mem>>, %arg13: memref<!tpu.dma_semaphore, #tpu.memory_space<semaphore_mem>>, %arg14: memref<!tpu.dma_semaphore, #tpu.memory_space<semaphore_mem>>) attributes {dimension_semantics = [#tpu.dimension_semantics<core_parallel>, #tpu.dimension_semantics<subcore_parallel>], iteration_bounds = array<i64: 2, 16>, scalar_prefetch = 0 : i64, scratch_operands = 8 : i64, tpu.core_type = #tpu.core_type<sc_vector_subcore>, window_params = [{transform_indices = #map}, {transform_indices = #map}, {transform_indices = #map1}, {transform_indices = #map1}, {transform_indices = #map2}]} {
    %mul3A = arith.constant 2 : i32
    %mul3A_0 = arith.muli %arg1, %mul3A : i32
    %add3A = arith.addi %mul3A_0, %arg0 : i32
    %eq3A = arith.constant 0 : i32
    %eq3A_1 = arith.cmpi eq, %arg1, %eq3A : i32
    %convert_element_type3A = arith.extui %eq3A_1 : i1 to i32
    %cond3A = arith.constant 0 : i32
    %cond3A_2 = arith.cmpi ne, %convert_element_type3A, %cond3A : i32
    scf.if %cond3A_2 {
      "tpu.region"() ({
        %run_scoped3A_103 = tpu.sem_alloc : memref<!tpu.dma_semaphore, #tpu.memory_space<semaphore_mem>>
        tpu.enqueue_dma source(%arg5 : memref<400x64xf32, #tpu.memory_space<hbm>>) target(%arg10 : memref<400x64xf32, #tpu.memory_space<vmem_shared>>) target_semaphore(%run_scoped3A_103 : memref<!tpu.dma_semaphore, #tpu.memory_space<semaphore_mem>>)
        tpu.wait_dma2 semaphore(%run_scoped3A_103 : memref<!tpu.dma_semaphore, #tpu.memory_space<semaphore_mem>>) src(%arg5 : memref<400x64xf32, #tpu.memory_space<hbm>>) dst(%arg10 : memref<400x64xf32, #tpu.memory_space<vmem_shared>>)
        tpu.yield
      }) : () -> ()
    } else {
    }
    %barrier3A = arith.constant 0 : index
    tpu.barrier barrier_id(%barrier3A)
    %mul3A_3 = arith.constant 64 : i32
    %mul3A_4 = arith.muli %add3A, %mul3A_3 : i32
    %add3A_5 = arith.constant 0 : i32
    %add3A_6 = arith.addi %mul3A_4, %add3A_5 : i32
    %mul3A_7 = arith.constant 400 : i32
    %mul3A_8 = arith.muli %add3A_6, %mul3A_7 : i32
    %run_scoped3A = arith.constant 0 : i32
    "tpu.region"() ({
      %run_scoped3A_103 = tpu.sem_alloc : memref<!tpu.dma_semaphore, #tpu.memory_space<semaphore_mem>>
      %dma_start3A_104 = arith.constant 0 : i32
      %dma_start3A_105 = tpu.memref_slice %arg7[%run_scoped3A, %dma_start3A_104] : memref<2x400xi32, #tpu.memory_space<vmem>> -> memref<1x400xi32, #tpu.memory_space<vmem>>
      %dma_start3A_106 = tpu.memref_squeeze %dma_start3A_105 : memref<1x400xi32, #tpu.memory_space<vmem>> -> memref<400xi32, #tpu.memory_space<vmem>>
      %dma_start3A_107 = tpu.memref_slice %arg2[%mul3A_8] : memref<819200xi32, #tpu.memory_space<hbm>> -> memref<400xi32, #tpu.memory_space<hbm>>
      %dma_start3A_108 = arith.constant 0 : i32
      %dma_start3A_109 = tpu.memref_slice %arg7[%run_scoped3A, %dma_start3A_108] : memref<2x400xi32, #tpu.memory_space<vmem>> -> memref<1x400xi32, #tpu.memory_space<vmem>>
      %dma_start3A_110 = tpu.memref_squeeze %dma_start3A_109 : memref<1x400xi32, #tpu.memory_space<vmem>> -> memref<400xi32, #tpu.memory_space<vmem>>
      %dma_start3A_111 = tpu.memref_slice %arg2[%mul3A_8] : memref<819200xi32, #tpu.memory_space<hbm>> -> memref<400xi32, #tpu.memory_space<hbm>>
      tpu.enqueue_dma source(%dma_start3A_111 : memref<400xi32, #tpu.memory_space<hbm>>) target(%dma_start3A_110 : memref<400xi32, #tpu.memory_space<vmem>>) target_semaphore(%run_scoped3A_103 : memref<!tpu.dma_semaphore, #tpu.memory_space<semaphore_mem>>)
      %dma_wait3A_112 = arith.constant 0 : i32
      %dma_wait3A_113 = tpu.memref_slice %arg7[%run_scoped3A, %dma_wait3A_112] : memref<2x400xi32, #tpu.memory_space<vmem>> -> memref<1x400xi32, #tpu.memory_space<vmem>>
      %dma_wait3A_114 = tpu.memref_squeeze %dma_wait3A_113 : memref<1x400xi32, #tpu.memory_space<vmem>> -> memref<400xi32, #tpu.memory_space<vmem>>
      %dma_wait3A_115 = tpu.memref_slice %arg2[%mul3A_8] : memref<819200xi32, #tpu.memory_space<hbm>> -> memref<400xi32, #tpu.memory_space<hbm>>
      %dma_wait3A_116 = arith.constant 0 : i32
      %dma_wait3A_117 = tpu.memref_slice %arg7[%run_scoped3A, %dma_wait3A_116] : memref<2x400xi32, #tpu.memory_space<vmem>> -> memref<1x400xi32, #tpu.memory_space<vmem>>
      %dma_wait3A_118 = tpu.memref_squeeze %dma_wait3A_117 : memref<1x400xi32, #tpu.memory_space<vmem>> -> memref<400xi32, #tpu.memory_space<vmem>>
      %dma_wait3A_119 = tpu.memref_slice %arg2[%mul3A_8] : memref<819200xi32, #tpu.memory_space<hbm>> -> memref<400xi32, #tpu.memory_space<hbm>>
      tpu.wait_dma2 semaphore(%run_scoped3A_103 : memref<!tpu.dma_semaphore, #tpu.memory_space<semaphore_mem>>) src(%dma_wait3A_119 : memref<400xi32, #tpu.memory_space<hbm>>) dst(%dma_wait3A_118 : memref<400xi32, #tpu.memory_space<vmem>>)
      tpu.yield
    }) : () -> ()
    %run_scoped3A_9 = arith.constant 0 : i32
    "tpu.region"() ({
      %run_scoped3A_103 = tpu.sem_alloc : memref<!tpu.dma_semaphore, #tpu.memory_space<semaphore_mem>>
      %dma_start3A_104 = arith.constant 0 : i32
      %dma_start3A_105 = tpu.memref_slice %arg8[%run_scoped3A_9, %dma_start3A_104] : memref<2x400xi32, #tpu.memory_space<vmem>> -> memref<1x400xi32, #tpu.memory_space<vmem>>
      %dma_start3A_106 = tpu.memref_squeeze %dma_start3A_105 : memref<1x400xi32, #tpu.memory_space<vmem>> -> memref<400xi32, #tpu.memory_space<vmem>>
      %dma_start3A_107 = tpu.memref_slice %arg3[%mul3A_8] : memref<819200xi32, #tpu.memory_space<hbm>> -> memref<400xi32, #tpu.memory_space<hbm>>
      %dma_start3A_108 = arith.constant 0 : i32
      %dma_start3A_109 = tpu.memref_slice %arg8[%run_scoped3A_9, %dma_start3A_108] : memref<2x400xi32, #tpu.memory_space<vmem>> -> memref<1x400xi32, #tpu.memory_space<vmem>>
      %dma_start3A_110 = tpu.memref_squeeze %dma_start3A_109 : memref<1x400xi32, #tpu.memory_space<vmem>> -> memref<400xi32, #tpu.memory_space<vmem>>
      %dma_start3A_111 = tpu.memref_slice %arg3[%mul3A_8] : memref<819200xi32, #tpu.memory_space<hbm>> -> memref<400xi32, #tpu.memory_space<hbm>>
      tpu.enqueue_dma source(%dma_start3A_111 : memref<400xi32, #tpu.memory_space<hbm>>) target(%dma_start3A_110 : memref<400xi32, #tpu.memory_space<vmem>>) target_semaphore(%run_scoped3A_103 : memref<!tpu.dma_semaphore, #tpu.memory_space<semaphore_mem>>)
      %dma_wait3A_112 = arith.constant 0 : i32
      %dma_wait3A_113 = tpu.memref_slice %arg8[%run_scoped3A_9, %dma_wait3A_112] : memref<2x400xi32, #tpu.memory_space<vmem>> -> memref<1x400xi32, #tpu.memory_space<vmem>>
      %dma_wait3A_114 = tpu.memref_squeeze %dma_wait3A_113 : memref<1x400xi32, #tpu.memory_space<vmem>> -> memref<400xi32, #tpu.memory_space<vmem>>
      %dma_wait3A_115 = tpu.memref_slice %arg3[%mul3A_8] : memref<819200xi32, #tpu.memory_space<hbm>> -> memref<400xi32, #tpu.memory_space<hbm>>
      %dma_wait3A_116 = arith.constant 0 : i32
      %dma_wait3A_117 = tpu.memref_slice %arg8[%run_scoped3A_9, %dma_wait3A_116] : memref<2x400xi32, #tpu.memory_space<vmem>> -> memref<1x400xi32, #tpu.memory_space<vmem>>
      %dma_wait3A_118 = tpu.memref_squeeze %dma_wait3A_117 : memref<1x400xi32, #tpu.memory_space<vmem>> -> memref<400xi32, #tpu.memory_space<vmem>>
      %dma_wait3A_119 = tpu.memref_slice %arg3[%mul3A_8] : memref<819200xi32, #tpu.memory_space<hbm>> -> memref<400xi32, #tpu.memory_space<hbm>>
      tpu.wait_dma2 semaphore(%run_scoped3A_103 : memref<!tpu.dma_semaphore, #tpu.memory_space<semaphore_mem>>) src(%dma_wait3A_119 : memref<400xi32, #tpu.memory_space<hbm>>) dst(%dma_wait3A_118 : memref<400xi32, #tpu.memory_space<vmem>>)
      tpu.yield
    }) : () -> ()
    %dma_start3A = arith.constant 0 : i32
    %dma_start3A_10 = arith.constant 0 : i32
    %dma_start3A_11 = arith.constant 0 : i32
    %dma_start3A_12 = arith.constant 0 : i32
    %dma_start3A_13 = arith.constant 0 : i32
    %dma_start3A_14 = tpu.memref_slice %arg9[%dma_start3A_10, %dma_start3A_11, %dma_start3A_12, %dma_start3A_13] : memref<2x2x200x64xf32, #tpu.memory_space<vmem>> -> memref<1x1x96x64xf32, #tpu.memory_space<vmem>>
    %dma_start3A_15 = tpu.memref_squeeze %dma_start3A_14 : memref<1x1x96x64xf32, #tpu.memory_space<vmem>> -> memref<96x64xf32, #tpu.memory_space<vmem>>
    %dma_start3A_16 = arith.constant 0 : i32
    %dma_start3A_17 = tpu.memref_slice %arg7[%dma_start3A, %dma_start3A_16] : memref<2x400xi32, #tpu.memory_space<vmem>> -> memref<1x96xi32, #tpu.memory_space<vmem>>
    %dma_start3A_18 = tpu.memref_squeeze %dma_start3A_17 : memref<1x96xi32, #tpu.memory_space<vmem>> -> memref<96xi32, #tpu.memory_space<vmem>>
    %dma_start3A_19 = arith.constant 0 : i32
    %dma_start3A_20 = arith.constant 0 : i32
    %dma_start3A_21 = tpu.memref_slice %arg4[%dma_start3A_19, %dma_start3A_20] : memref<2000000x64xf32, #tpu.memory_space<hbm>> -> memref<2000000x64xf32, #tpu.memory_space<hbm>>
    tpu.enqueue_indirect_dma source(%dma_start3A_21 : memref<2000000x64xf32, #tpu.memory_space<hbm>>) target(%dma_start3A_15 : memref<96x64xf32, #tpu.memory_space<vmem>>) offsets(%dma_start3A_18 : memref<96xi32, #tpu.memory_space<vmem>>) semaphore(%arg11 : memref<!tpu.dma_semaphore, #tpu.memory_space<semaphore_mem>>)
    %dma_start3A_22 = arith.constant 0 : i32
    %dma_start3A_23 = arith.constant 0 : i32
    %dma_start3A_24 = arith.constant 0 : i32
    %dma_start3A_25 = arith.constant 96 : i32
    %dma_start3A_26 = arith.constant 0 : i32
    %dma_start3A_27 = tpu.memref_slice %arg9[%dma_start3A_23, %dma_start3A_24, %dma_start3A_25, %dma_start3A_26] : memref<2x2x200x64xf32, #tpu.memory_space<vmem>> -> memref<1x1x104x64xf32, #tpu.memory_space<vmem>>
    %dma_start3A_28 = tpu.memref_squeeze %dma_start3A_27 : memref<1x1x104x64xf32, #tpu.memory_space<vmem>> -> memref<104x64xf32, #tpu.memory_space<vmem>>
    %dma_start3A_29 = arith.constant 96 : i32
    %dma_start3A_30 = tpu.memref_slice %arg7[%dma_start3A_22, %dma_start3A_29] : memref<2x400xi32, #tpu.memory_space<vmem>> -> memref<1x104xi32, #tpu.memory_space<vmem>>
    %dma_start3A_31 = tpu.memref_squeeze %dma_start3A_30 : memref<1x104xi32, #tpu.memory_space<vmem>> -> memref<104xi32, #tpu.memory_space<vmem>>
    %dma_start3A_32 = arith.constant 0 : i32
    %dma_start3A_33 = arith.constant 0 : i32
    %dma_start3A_34 = tpu.memref_slice %arg4[%dma_start3A_32, %dma_start3A_33] : memref<2000000x64xf32, #tpu.memory_space<hbm>> -> memref<2000000x64xf32, #tpu.memory_space<hbm>>
    tpu.enqueue_indirect_dma source(%dma_start3A_34 : memref<2000000x64xf32, #tpu.memory_space<hbm>>) target(%dma_start3A_28 : memref<104x64xf32, #tpu.memory_space<vmem>>) offsets(%dma_start3A_31 : memref<104xi32, #tpu.memory_space<vmem>>) semaphore(%arg11 : memref<!tpu.dma_semaphore, #tpu.memory_space<semaphore_mem>>)
    %dma_start3A_35 = arith.constant 0 : i32
    %dma_start3A_36 = arith.constant 0 : i32
    %dma_start3A_37 = arith.constant 1 : i32
    %dma_start3A_38 = arith.constant 0 : i32
    %dma_start3A_39 = arith.constant 0 : i32
    %dma_start3A_40 = tpu.memref_slice %arg9[%dma_start3A_36, %dma_start3A_37, %dma_start3A_38, %dma_start3A_39] : memref<2x2x200x64xf32, #tpu.memory_space<vmem>> -> memref<1x1x96x64xf32, #tpu.memory_space<vmem>>
    %dma_start3A_41 = tpu.memref_squeeze %dma_start3A_40 : memref<1x1x96x64xf32, #tpu.memory_space<vmem>> -> memref<96x64xf32, #tpu.memory_space<vmem>>
    %dma_start3A_42 = arith.constant 200 : i32
    %dma_start3A_43 = tpu.memref_slice %arg7[%dma_start3A_35, %dma_start3A_42] : memref<2x400xi32, #tpu.memory_space<vmem>> -> memref<1x96xi32, #tpu.memory_space<vmem>>
    %dma_start3A_44 = tpu.memref_squeeze %dma_start3A_43 : memref<1x96xi32, #tpu.memory_space<vmem>> -> memref<96xi32, #tpu.memory_space<vmem>>
    %dma_start3A_45 = arith.constant 0 : i32
    %dma_start3A_46 = arith.constant 0 : i32
    %dma_start3A_47 = tpu.memref_slice %arg4[%dma_start3A_45, %dma_start3A_46] : memref<2000000x64xf32, #tpu.memory_space<hbm>> -> memref<2000000x64xf32, #tpu.memory_space<hbm>>
    tpu.enqueue_indirect_dma source(%dma_start3A_47 : memref<2000000x64xf32, #tpu.memory_space<hbm>>) target(%dma_start3A_41 : memref<96x64xf32, #tpu.memory_space<vmem>>) offsets(%dma_start3A_44 : memref<96xi32, #tpu.memory_space<vmem>>) semaphore(%arg11 : memref<!tpu.dma_semaphore, #tpu.memory_space<semaphore_mem>>)
    %dma_start3A_48 = arith.constant 0 : i32
    %dma_start3A_49 = arith.constant 0 : i32
    %dma_start3A_50 = arith.constant 1 : i32
    %dma_start3A_51 = arith.constant 96 : i32
    %dma_start3A_52 = arith.constant 0 : i32
    %dma_start3A_53 = tpu.memref_slice %arg9[%dma_start3A_49, %dma_start3A_50, %dma_start3A_51, %dma_start3A_52] : memref<2x2x200x64xf32, #tpu.memory_space<vmem>> -> memref<1x1x104x64xf32, #tpu.memory_space<vmem>>
    %dma_start3A_54 = tpu.memref_squeeze %dma_start3A_53 : memref<1x1x104x64xf32, #tpu.memory_space<vmem>> -> memref<104x64xf32, #tpu.memory_space<vmem>>
    %dma_start3A_55 = arith.constant 296 : i32
    %dma_start3A_56 = tpu.memref_slice %arg7[%dma_start3A_48, %dma_start3A_55] : memref<2x400xi32, #tpu.memory_space<vmem>> -> memref<1x104xi32, #tpu.memory_space<vmem>>
    %dma_start3A_57 = tpu.memref_squeeze %dma_start3A_56 : memref<1x104xi32, #tpu.memory_space<vmem>> -> memref<104xi32, #tpu.memory_space<vmem>>
    %dma_start3A_58 = arith.constant 0 : i32
    %dma_start3A_59 = arith.constant 0 : i32
    %dma_start3A_60 = tpu.memref_slice %arg4[%dma_start3A_58, %dma_start3A_59] : memref<2000000x64xf32, #tpu.memory_space<hbm>> -> memref<2000000x64xf32, #tpu.memory_space<hbm>>
    tpu.enqueue_indirect_dma source(%dma_start3A_60 : memref<2000000x64xf32, #tpu.memory_space<hbm>>) target(%dma_start3A_54 : memref<104x64xf32, #tpu.memory_space<vmem>>) offsets(%dma_start3A_57 : memref<104xi32, #tpu.memory_space<vmem>>) semaphore(%arg11 : memref<!tpu.dma_semaphore, #tpu.memory_space<semaphore_mem>>)
    %scan3A = arith.constant 0 : i32
    %scan3A_61 = arith.constant 0 : i32
    %scan3A_62 = arith.constant 32 : i32
    %scan3A_63 = arith.addi %scan3A_61, %scan3A_62 : i32
    %scan3A_64 = arith.constant 1 : i32
    scf.for %scan3A_103 = %scan3A_61 to %scan3A_63 step %scan3A_64  : i32 {
      %mul3A_104 = arith.constant 2 : i32
      %mul3A_105 = arith.muli %mul3A_104, %scan3A_103 : i32
      %dma_wait3A_106 = arith.constant 0 : i32
      %dma_wait3A_107 = arith.constant 0 : i32
      %dma_wait3A_108 = arith.constant 0 : i32
      %dma_wait3A_109 = arith.constant 0 : i32
      %dma_wait3A_110 = arith.constant 0 : i32
      %dma_wait3A_111 = tpu.memref_slice %arg9[%dma_wait3A_107, %dma_wait3A_108, %dma_wait3A_109, %dma_wait3A_110] : memref<2x2x200x64xf32, #tpu.memory_space<vmem>> -> memref<1x1x96x64xf32, #tpu.memory_space<vmem>>
      %dma_wait3A_112 = tpu.memref_squeeze %dma_wait3A_111 : memref<1x1x96x64xf32, #tpu.memory_space<vmem>> -> memref<96x64xf32, #tpu.memory_space<vmem>>
      %dma_wait3A_113 = arith.constant 0 : i32
      %dma_wait3A_114 = tpu.memref_slice %arg7[%dma_wait3A_106, %dma_wait3A_113] : memref<2x400xi32, #tpu.memory_space<vmem>> -> memref<1x96xi32, #tpu.memory_space<vmem>>
      %dma_wait3A_115 = tpu.memref_squeeze %dma_wait3A_114 : memref<1x96xi32, #tpu.memory_space<vmem>> -> memref<96xi32, #tpu.memory_space<vmem>>
      %dma_wait3A_116 = arith.constant 0 : i32
      %dma_wait3A_117 = arith.constant 0 : i32
      %dma_wait3A_118 = tpu.memref_slice %arg4[%dma_wait3A_116, %dma_wait3A_117] : memref<2000000x64xf32, #tpu.memory_space<hbm>> -> memref<2000000x64xf32, #tpu.memory_space<hbm>>
      tpu.wait_indirect_dma semaphore(%arg11 : memref<!tpu.dma_semaphore, #tpu.memory_space<semaphore_mem>>) src(%dma_wait3A_118 : memref<2000000x64xf32, #tpu.memory_space<hbm>>) dst(%dma_wait3A_112 : memref<96x64xf32, #tpu.memory_space<vmem>>)
      %dma_wait3A_119 = arith.constant 0 : i32
      %dma_wait3A_120 = arith.constant 0 : i32
      %dma_wait3A_121 = arith.constant 0 : i32
      %dma_wait3A_122 = arith.constant 96 : i32
      %dma_wait3A_123 = arith.constant 0 : i32
      %dma_wait3A_124 = tpu.memref_slice %arg9[%dma_wait3A_120, %dma_wait3A_121, %dma_wait3A_122, %dma_wait3A_123] : memref<2x2x200x64xf32, #tpu.memory_space<vmem>> -> memref<1x1x104x64xf32, #tpu.memory_space<vmem>>
      %dma_wait3A_125 = tpu.memref_squeeze %dma_wait3A_124 : memref<1x1x104x64xf32, #tpu.memory_space<vmem>> -> memref<104x64xf32, #tpu.memory_space<vmem>>
      %dma_wait3A_126 = arith.constant 96 : i32
      %dma_wait3A_127 = tpu.memref_slice %arg7[%dma_wait3A_119, %dma_wait3A_126] : memref<2x400xi32, #tpu.memory_space<vmem>> -> memref<1x104xi32, #tpu.memory_space<vmem>>
      %dma_wait3A_128 = tpu.memref_squeeze %dma_wait3A_127 : memref<1x104xi32, #tpu.memory_space<vmem>> -> memref<104xi32, #tpu.memory_space<vmem>>
      %dma_wait3A_129 = arith.constant 0 : i32
      %dma_wait3A_130 = arith.constant 0 : i32
      %dma_wait3A_131 = tpu.memref_slice %arg4[%dma_wait3A_129, %dma_wait3A_130] : memref<2000000x64xf32, #tpu.memory_space<hbm>> -> memref<2000000x64xf32, #tpu.memory_space<hbm>>
      tpu.wait_indirect_dma semaphore(%arg11 : memref<!tpu.dma_semaphore, #tpu.memory_space<semaphore_mem>>) src(%dma_wait3A_131 : memref<2000000x64xf32, #tpu.memory_space<hbm>>) dst(%dma_wait3A_125 : memref<104x64xf32, #tpu.memory_space<vmem>>)
      %dma_wait3A_132 = arith.constant 0 : i32
      %dma_wait3A_133 = arith.constant 0 : i32
      %dma_wait3A_134 = arith.constant 1 : i32
      %dma_wait3A_135 = arith.constant 0 : i32
      %dma_wait3A_136 = arith.constant 0 : i32
      %dma_wait3A_137 = tpu.memref_slice %arg9[%dma_wait3A_133, %dma_wait3A_134, %dma_wait3A_135, %dma_wait3A_136] : memref<2x2x200x64xf32, #tpu.memory_space<vmem>> -> memref<1x1x96x64xf32, #tpu.memory_space<vmem>>
      %dma_wait3A_138 = tpu.memref_squeeze %dma_wait3A_137 : memref<1x1x96x64xf32, #tpu.memory_space<vmem>> -> memref<96x64xf32, #tpu.memory_space<vmem>>
      %dma_wait3A_139 = arith.constant 200 : i32
      %dma_wait3A_140 = tpu.memref_slice %arg7[%dma_wait3A_132, %dma_wait3A_139] : memref<2x400xi32, #tpu.memory_space<vmem>> -> memref<1x96xi32, #tpu.memory_space<vmem>>
      %dma_wait3A_141 = tpu.memref_squeeze %dma_wait3A_140 : memref<1x96xi32, #tpu.memory_space<vmem>> -> memref<96xi32, #tpu.memory_space<vmem>>
      %dma_wait3A_142 = arith.constant 0 : i32
      %dma_wait3A_143 = arith.constant 0 : i32
      %dma_wait3A_144 = tpu.memref_slice %arg4[%dma_wait3A_142, %dma_wait3A_143] : memref<2000000x64xf32, #tpu.memory_space<hbm>> -> memref<2000000x64xf32, #tpu.memory_space<hbm>>
      tpu.wait_indirect_dma semaphore(%arg11 : memref<!tpu.dma_semaphore, #tpu.memory_space<semaphore_mem>>) src(%dma_wait3A_144 : memref<2000000x64xf32, #tpu.memory_space<hbm>>) dst(%dma_wait3A_138 : memref<96x64xf32, #tpu.memory_space<vmem>>)
      %dma_wait3A_145 = arith.constant 0 : i32
      %dma_wait3A_146 = arith.constant 0 : i32
      %dma_wait3A_147 = arith.constant 1 : i32
      %dma_wait3A_148 = arith.constant 96 : i32
      %dma_wait3A_149 = arith.constant 0 : i32
      %dma_wait3A_150 = tpu.memref_slice %arg9[%dma_wait3A_146, %dma_wait3A_147, %dma_wait3A_148, %dma_wait3A_149] : memref<2x2x200x64xf32, #tpu.memory_space<vmem>> -> memref<1x1x104x64xf32, #tpu.memory_space<vmem>>
      %dma_wait3A_151 = tpu.memref_squeeze %dma_wait3A_150 : memref<1x1x104x64xf32, #tpu.memory_space<vmem>> -> memref<104x64xf32, #tpu.memory_space<vmem>>
      %dma_wait3A_152 = arith.constant 296 : i32
      %dma_wait3A_153 = tpu.memref_slice %arg7[%dma_wait3A_145, %dma_wait3A_152] : memref<2x400xi32, #tpu.memory_space<vmem>> -> memref<1x104xi32, #tpu.memory_space<vmem>>
      %dma_wait3A_154 = tpu.memref_squeeze %dma_wait3A_153 : memref<1x104xi32, #tpu.memory_space<vmem>> -> memref<104xi32, #tpu.memory_space<vmem>>
      %dma_wait3A_155 = arith.constant 0 : i32
      %dma_wait3A_156 = arith.constant 0 : i32
      %dma_wait3A_157 = tpu.memref_slice %arg4[%dma_wait3A_155, %dma_wait3A_156] : memref<2000000x64xf32, #tpu.memory_space<hbm>> -> memref<2000000x64xf32, #tpu.memory_space<hbm>>
      tpu.wait_indirect_dma semaphore(%arg11 : memref<!tpu.dma_semaphore, #tpu.memory_space<semaphore_mem>>) src(%dma_wait3A_157 : memref<2000000x64xf32, #tpu.memory_space<hbm>>) dst(%dma_wait3A_151 : memref<104x64xf32, #tpu.memory_space<vmem>>)
      %add3A_158 = arith.constant 1 : i32
      %add3A_159 = arith.addi %mul3A_105, %add3A_158 : i32
      %lt3A = arith.constant 64 : i32
      %lt3A_160 = arith.cmpi slt, %add3A_159, %lt3A : i32
      %convert_element_type3A_161 = arith.extui %lt3A_160 : i1 to i32
      %cond3A_162 = arith.constant 0 : i32
      %cond3A_163 = arith.cmpi ne, %convert_element_type3A_161, %cond3A_162 : i32
      scf.if %cond3A_163 {
        %add3A_484 = arith.constant 1 : i32
        %add3A_485 = arith.addi %mul3A_105, %add3A_484 : i32
        %mul3A_486 = arith.constant 64 : i32
        %mul3A_487 = arith.muli %add3A, %mul3A_486 : i32
        %add3A_488 = arith.addi %mul3A_487, %add3A_485 : i32
        %mul3A_489 = arith.constant 400 : i32
        %mul3A_490 = arith.muli %add3A_488, %mul3A_489 : i32
        %run_scoped3A_491 = arith.constant 1 : i32
        "tpu.region"() ({
          %run_scoped3A_545 = tpu.sem_alloc : memref<!tpu.dma_semaphore, #tpu.memory_space<semaphore_mem>>
          %dma_start3A_546 = arith.constant 0 : i32
          %dma_start3A_547 = tpu.memref_slice %arg7[%run_scoped3A_491, %dma_start3A_546] : memref<2x400xi32, #tpu.memory_space<vmem>> -> memref<1x400xi32, #tpu.memory_space<vmem>>
          %dma_start3A_548 = tpu.memref_squeeze %dma_start3A_547 : memref<1x400xi32, #tpu.memory_space<vmem>> -> memref<400xi32, #tpu.memory_space<vmem>>
          %dma_start3A_549 = tpu.memref_slice %arg2[%mul3A_490] : memref<819200xi32, #tpu.memory_space<hbm>> -> memref<400xi32, #tpu.memory_space<hbm>>
          %dma_start3A_550 = arith.constant 0 : i32
          %dma_start3A_551 = tpu.memref_slice %arg7[%run_scoped3A_491, %dma_start3A_550] : memref<2x400xi32, #tpu.memory_space<vmem>> -> memref<1x400xi32, #tpu.memory_space<vmem>>
          %dma_start3A_552 = tpu.memref_squeeze %dma_start3A_551 : memref<1x400xi32, #tpu.memory_space<vmem>> -> memref<400xi32, #tpu.memory_space<vmem>>
          %dma_start3A_553 = tpu.memref_slice %arg2[%mul3A_490] : memref<819200xi32, #tpu.memory_space<hbm>> -> memref<400xi32, #tpu.memory_space<hbm>>
          tpu.enqueue_dma source(%dma_start3A_553 : memref<400xi32, #tpu.memory_space<hbm>>) target(%dma_start3A_552 : memref<400xi32, #tpu.memory_space<vmem>>) target_semaphore(%run_scoped3A_545 : memref<!tpu.dma_semaphore, #tpu.memory_space<semaphore_mem>>)
          %dma_wait3A_554 = arith.constant 0 : i32
          %dma_wait3A_555 = tpu.memref_slice %arg7[%run_scoped3A_491, %dma_wait3A_554] : memref<2x400xi32, #tpu.memory_space<vmem>> -> memref<1x400xi32, #tpu.memory_space<vmem>>
          %dma_wait3A_556 = tpu.memref_squeeze %dma_wait3A_555 : memref<1x400xi32, #tpu.memory_space<vmem>> -> memref<400xi32, #tpu.memory_space<vmem>>
          %dma_wait3A_557 = tpu.memref_slice %arg2[%mul3A_490] : memref<819200xi32, #tpu.memory_space<hbm>> -> memref<400xi32, #tpu.memory_space<hbm>>
          %dma_wait3A_558 = arith.constant 0 : i32
          %dma_wait3A_559 = tpu.memref_slice %arg7[%run_scoped3A_491, %dma_wait3A_558] : memref<2x400xi32, #tpu.memory_space<vmem>> -> memref<1x400xi32, #tpu.memory_space<vmem>>
          %dma_wait3A_560 = tpu.memref_squeeze %dma_wait3A_559 : memref<1x400xi32, #tpu.memory_space<vmem>> -> memref<400xi32, #tpu.memory_space<vmem>>
          %dma_wait3A_561 = tpu.memref_slice %arg2[%mul3A_490] : memref<819200xi32, #tpu.memory_space<hbm>> -> memref<400xi32, #tpu.memory_space<hbm>>
          tpu.wait_dma2 semaphore(%run_scoped3A_545 : memref<!tpu.dma_semaphore, #tpu.memory_space<semaphore_mem>>) src(%dma_wait3A_561 : memref<400xi32, #tpu.memory_space<hbm>>) dst(%dma_wait3A_560 : memref<400xi32, #tpu.memory_space<vmem>>)
          tpu.yield
        }) : () -> ()
        %run_scoped3A_492 = arith.constant 1 : i32
        "tpu.region"() ({
          %run_scoped3A_545 = tpu.sem_alloc : memref<!tpu.dma_semaphore, #tpu.memory_space<semaphore_mem>>
          %dma_start3A_546 = arith.constant 0 : i32
          %dma_start3A_547 = tpu.memref_slice %arg8[%run_scoped3A_492, %dma_start3A_546] : memref<2x400xi32, #tpu.memory_space<vmem>> -> memref<1x400xi32, #tpu.memory_space<vmem>>
          %dma_start3A_548 = tpu.memref_squeeze %dma_start3A_547 : memref<1x400xi32, #tpu.memory_space<vmem>> -> memref<400xi32, #tpu.memory_space<vmem>>
          %dma_start3A_549 = tpu.memref_slice %arg3[%mul3A_490] : memref<819200xi32, #tpu.memory_space<hbm>> -> memref<400xi32, #tpu.memory_space<hbm>>
          %dma_start3A_550 = arith.constant 0 : i32
          %dma_start3A_551 = tpu.memref_slice %arg8[%run_scoped3A_492, %dma_start3A_550] : memref<2x400xi32, #tpu.memory_space<vmem>> -> memref<1x400xi32, #tpu.memory_space<vmem>>
          %dma_start3A_552 = tpu.memref_squeeze %dma_start3A_551 : memref<1x400xi32, #tpu.memory_space<vmem>> -> memref<400xi32, #tpu.memory_space<vmem>>
          %dma_start3A_553 = tpu.memref_slice %arg3[%mul3A_490] : memref<819200xi32, #tpu.memory_space<hbm>> -> memref<400xi32, #tpu.memory_space<hbm>>
          tpu.enqueue_dma source(%dma_start3A_553 : memref<400xi32, #tpu.memory_space<hbm>>) target(%dma_start3A_552 : memref<400xi32, #tpu.memory_space<vmem>>) target_semaphore(%run_scoped3A_545 : memref<!tpu.dma_semaphore, #tpu.memory_space<semaphore_mem>>)
          %dma_wait3A_554 = arith.constant 0 : i32
          %dma_wait3A_555 = tpu.memref_slice %arg8[%run_scoped3A_492, %dma_wait3A_554] : memref<2x400xi32, #tpu.memory_space<vmem>> -> memref<1x400xi32, #tpu.memory_space<vmem>>
          %dma_wait3A_556 = tpu.memref_squeeze %dma_wait3A_555 : memref<1x400xi32, #tpu.memory_space<vmem>> -> memref<400xi32, #tpu.memory_space<vmem>>
          %dma_wait3A_557 = tpu.memref_slice %arg3[%mul3A_490] : memref<819200xi32, #tpu.memory_space<hbm>> -> memref<400xi32, #tpu.memory_space<hbm>>
          %dma_wait3A_558 = arith.constant 0 : i32
          %dma_wait3A_559 = tpu.memref_slice %arg8[%run_scoped3A_492, %dma_wait3A_558] : memref<2x400xi32, #tpu.memory_space<vmem>> -> memref<1x400xi32, #tpu.memory_space<vmem>>
          %dma_wait3A_560 = tpu.memref_squeeze %dma_wait3A_559 : memref<1x400xi32, #tpu.memory_space<vmem>> -> memref<400xi32, #tpu.memory_space<vmem>>
          %dma_wait3A_561 = tpu.memref_slice %arg3[%mul3A_490] : memref<819200xi32, #tpu.memory_space<hbm>> -> memref<400xi32, #tpu.memory_space<hbm>>
          tpu.wait_dma2 semaphore(%run_scoped3A_545 : memref<!tpu.dma_semaphore, #tpu.memory_space<semaphore_mem>>) src(%dma_wait3A_561 : memref<400xi32, #tpu.memory_space<hbm>>) dst(%dma_wait3A_560 : memref<400xi32, #tpu.memory_space<vmem>>)
          tpu.yield
        }) : () -> ()
        %dma_start3A_493 = arith.constant 1 : i32
        %dma_start3A_494 = arith.constant 1 : i32
        %dma_start3A_495 = arith.constant 0 : i32
        %dma_start3A_496 = arith.constant 0 : i32
        %dma_start3A_497 = arith.constant 0 : i32
        %dma_start3A_498 = tpu.memref_slice %arg9[%dma_start3A_494, %dma_start3A_495, %dma_start3A_496, %dma_start3A_497] : memref<2x2x200x64xf32, #tpu.memory_space<vmem>> -> memref<1x1x96x64xf32, #tpu.memory_space<vmem>>
        %dma_start3A_499 = tpu.memref_squeeze %dma_start3A_498 : memref<1x1x96x64xf32, #tpu.memory_space<vmem>> -> memref<96x64xf32, #tpu.memory_space<vmem>>
        %dma_start3A_500 = arith.constant 0 : i32
        %dma_start3A_501 = tpu.memref_slice %arg7[%dma_start3A_493, %dma_start3A_500] : memref<2x400xi32, #tpu.memory_space<vmem>> -> memref<1x96xi32, #tpu.memory_space<vmem>>
        %dma_start3A_502 = tpu.memref_squeeze %dma_start3A_501 : memref<1x96xi32, #tpu.memory_space<vmem>> -> memref<96xi32, #tpu.memory_space<vmem>>
        %dma_start3A_503 = arith.constant 0 : i32
        %dma_start3A_504 = arith.constant 0 : i32
        %dma_start3A_505 = tpu.memref_slice %arg4[%dma_start3A_503, %dma_start3A_504] : memref<2000000x64xf32, #tpu.memory_space<hbm>> -> memref<2000000x64xf32, #tpu.memory_space<hbm>>
        tpu.enqueue_indirect_dma source(%dma_start3A_505 : memref<2000000x64xf32, #tpu.memory_space<hbm>>) target(%dma_start3A_499 : memref<96x64xf32, #tpu.memory_space<vmem>>) offsets(%dma_start3A_502 : memref<96xi32, #tpu.memory_space<vmem>>) semaphore(%arg12 : memref<!tpu.dma_semaphore, #tpu.memory_space<semaphore_mem>>)
        %dma_start3A_506 = arith.constant 1 : i32
        %dma_start3A_507 = arith.constant 1 : i32
        %dma_start3A_508 = arith.constant 0 : i32
        %dma_start3A_509 = arith.constant 96 : i32
        %dma_start3A_510 = arith.constant 0 : i32
        %dma_start3A_511 = tpu.memref_slice %arg9[%dma_start3A_507, %dma_start3A_508, %dma_start3A_509, %dma_start3A_510] : memref<2x2x200x64xf32, #tpu.memory_space<vmem>> -> memref<1x1x104x64xf32, #tpu.memory_space<vmem>>
        %dma_start3A_512 = tpu.memref_squeeze %dma_start3A_511 : memref<1x1x104x64xf32, #tpu.memory_space<vmem>> -> memref<104x64xf32, #tpu.memory_space<vmem>>
        %dma_start3A_513 = arith.constant 96 : i32
        %dma_start3A_514 = tpu.memref_slice %arg7[%dma_start3A_506, %dma_start3A_513] : memref<2x400xi32, #tpu.memory_space<vmem>> -> memref<1x104xi32, #tpu.memory_space<vmem>>
        %dma_start3A_515 = tpu.memref_squeeze %dma_start3A_514 : memref<1x104xi32, #tpu.memory_space<vmem>> -> memref<104xi32, #tpu.memory_space<vmem>>
        %dma_start3A_516 = arith.constant 0 : i32
        %dma_start3A_517 = arith.constant 0 : i32
        %dma_start3A_518 = tpu.memref_slice %arg4[%dma_start3A_516, %dma_start3A_517] : memref<2000000x64xf32, #tpu.memory_space<hbm>> -> memref<2000000x64xf32, #tpu.memory_space<hbm>>
        tpu.enqueue_indirect_dma source(%dma_start3A_518 : memref<2000000x64xf32, #tpu.memory_space<hbm>>) target(%dma_start3A_512 : memref<104x64xf32, #tpu.memory_space<vmem>>) offsets(%dma_start3A_515 : memref<104xi32, #tpu.memory_space<vmem>>) semaphore(%arg12 : memref<!tpu.dma_semaphore, #tpu.memory_space<semaphore_mem>>)
        %dma_start3A_519 = arith.constant 1 : i32
        %dma_start3A_520 = arith.constant 1 : i32
        %dma_start3A_521 = arith.constant 1 : i32
        %dma_start3A_522 = arith.constant 0 : i32
        %dma_start3A_523 = arith.constant 0 : i32
        %dma_start3A_524 = tpu.memref_slice %arg9[%dma_start3A_520, %dma_start3A_521, %dma_start3A_522, %dma_start3A_523] : memref<2x2x200x64xf32, #tpu.memory_space<vmem>> -> memref<1x1x96x64xf32, #tpu.memory_space<vmem>>
        %dma_start3A_525 = tpu.memref_squeeze %dma_start3A_524 : memref<1x1x96x64xf32, #tpu.memory_space<vmem>> -> memref<96x64xf32, #tpu.memory_space<vmem>>
        %dma_start3A_526 = arith.constant 200 : i32
        %dma_start3A_527 = tpu.memref_slice %arg7[%dma_start3A_519, %dma_start3A_526] : memref<2x400xi32, #tpu.memory_space<vmem>> -> memref<1x96xi32, #tpu.memory_space<vmem>>
        %dma_start3A_528 = tpu.memref_squeeze %dma_start3A_527 : memref<1x96xi32, #tpu.memory_space<vmem>> -> memref<96xi32, #tpu.memory_space<vmem>>
        %dma_start3A_529 = arith.constant 0 : i32
        %dma_start3A_530 = arith.constant 0 : i32
        %dma_start3A_531 = tpu.memref_slice %arg4[%dma_start3A_529, %dma_start3A_530] : memref<2000000x64xf32, #tpu.memory_space<hbm>> -> memref<2000000x64xf32, #tpu.memory_space<hbm>>
        tpu.enqueue_indirect_dma source(%dma_start3A_531 : memref<2000000x64xf32, #tpu.memory_space<hbm>>) target(%dma_start3A_525 : memref<96x64xf32, #tpu.memory_space<vmem>>) offsets(%dma_start3A_528 : memref<96xi32, #tpu.memory_space<vmem>>) semaphore(%arg12 : memref<!tpu.dma_semaphore, #tpu.memory_space<semaphore_mem>>)
        %dma_start3A_532 = arith.constant 1 : i32
        %dma_start3A_533 = arith.constant 1 : i32
        %dma_start3A_534 = arith.constant 1 : i32
        %dma_start3A_535 = arith.constant 96 : i32
        %dma_start3A_536 = arith.constant 0 : i32
        %dma_start3A_537 = tpu.memref_slice %arg9[%dma_start3A_533, %dma_start3A_534, %dma_start3A_535, %dma_start3A_536] : memref<2x2x200x64xf32, #tpu.memory_space<vmem>> -> memref<1x1x104x64xf32, #tpu.memory_space<vmem>>
        %dma_start3A_538 = tpu.memref_squeeze %dma_start3A_537 : memref<1x1x104x64xf32, #tpu.memory_space<vmem>> -> memref<104x64xf32, #tpu.memory_space<vmem>>
        %dma_start3A_539 = arith.constant 296 : i32
        %dma_start3A_540 = tpu.memref_slice %arg7[%dma_start3A_532, %dma_start3A_539] : memref<2x400xi32, #tpu.memory_space<vmem>> -> memref<1x104xi32, #tpu.memory_space<vmem>>
        %dma_start3A_541 = tpu.memref_squeeze %dma_start3A_540 : memref<1x104xi32, #tpu.memory_space<vmem>> -> memref<104xi32, #tpu.memory_space<vmem>>
        %dma_start3A_542 = arith.constant 0 : i32
        %dma_start3A_543 = arith.constant 0 : i32
        %dma_start3A_544 = tpu.memref_slice %arg4[%dma_start3A_542, %dma_start3A_543] : memref<2000000x64xf32, #tpu.memory_space<hbm>> -> memref<2000000x64xf32, #tpu.memory_space<hbm>>
        tpu.enqueue_indirect_dma source(%dma_start3A_544 : memref<2000000x64xf32, #tpu.memory_space<hbm>>) target(%dma_start3A_538 : memref<104x64xf32, #tpu.memory_space<vmem>>) offsets(%dma_start3A_541 : memref<104xi32, #tpu.memory_space<vmem>>) semaphore(%arg12 : memref<!tpu.dma_semaphore, #tpu.memory_space<semaphore_mem>>)
      } else {
      }
      %dma_start3A_164 = arith.constant 0 : i32
      %dma_start3A_165 = arith.constant 0 : i32
      %dma_start3A_166 = arith.constant 0 : i32
      %dma_start3A_167 = arith.constant 0 : i32
      %dma_start3A_168 = arith.constant 0 : i32
      %dma_start3A_169 = tpu.memref_slice %arg9[%dma_start3A_165, %dma_start3A_166, %dma_start3A_167, %dma_start3A_168] : memref<2x2x200x64xf32, #tpu.memory_space<vmem>> -> memref<1x1x96x64xf32, #tpu.memory_space<vmem>>
      %dma_start3A_170 = tpu.memref_squeeze %dma_start3A_169 : memref<1x1x96x64xf32, #tpu.memory_space<vmem>> -> memref<96x64xf32, #tpu.memory_space<vmem>>
      %dma_start3A_171 = arith.constant 0 : i32
      %dma_start3A_172 = tpu.memref_slice %arg8[%dma_start3A_164, %dma_start3A_171] : memref<2x400xi32, #tpu.memory_space<vmem>> -> memref<1x96xi32, #tpu.memory_space<vmem>>
      %dma_start3A_173 = tpu.memref_squeeze %dma_start3A_172 : memref<1x96xi32, #tpu.memory_space<vmem>> -> memref<96xi32, #tpu.memory_space<vmem>>
      %dma_start3A_174 = arith.constant 0 : i32
      %dma_start3A_175 = arith.constant 0 : i32
      %dma_start3A_176 = tpu.memref_slice %arg10[%dma_start3A_174, %dma_start3A_175] : memref<400x64xf32, #tpu.memory_space<vmem_shared>> -> memref<400x64xf32, #tpu.memory_space<vmem_shared>>
      tpu.enqueue_indirect_dma source(%dma_start3A_176 : memref<400x64xf32, #tpu.memory_space<vmem_shared>>) target(%dma_start3A_170 : memref<96x64xf32, #tpu.memory_space<vmem>>) offsets(%dma_start3A_173 : memref<96xi32, #tpu.memory_space<vmem>>) semaphore(%arg11 : memref<!tpu.dma_semaphore, #tpu.memory_space<semaphore_mem>>) {add = true}
      %dma_start3A_177 = arith.constant 0 : i32
      %dma_start3A_178 = arith.constant 0 : i32
      %dma_start3A_179 = arith.constant 0 : i32
      %dma_start3A_180 = arith.constant 96 : i32
      %dma_start3A_181 = arith.constant 0 : i32
      %dma_start3A_182 = tpu.memref_slice %arg9[%dma_start3A_178, %dma_start3A_179, %dma_start3A_180, %dma_start3A_181] : memref<2x2x200x64xf32, #tpu.memory_space<vmem>> -> memref<1x1x104x64xf32, #tpu.memory_space<vmem>>
      %dma_start3A_183 = tpu.memref_squeeze %dma_start3A_182 : memref<1x1x104x64xf32, #tpu.memory_space<vmem>> -> memref<104x64xf32, #tpu.memory_space<vmem>>
      %dma_start3A_184 = arith.constant 96 : i32
      %dma_start3A_185 = tpu.memref_slice %arg8[%dma_start3A_177, %dma_start3A_184] : memref<2x400xi32, #tpu.memory_space<vmem>> -> memref<1x104xi32, #tpu.memory_space<vmem>>
      %dma_start3A_186 = tpu.memref_squeeze %dma_start3A_185 : memref<1x104xi32, #tpu.memory_space<vmem>> -> memref<104xi32, #tpu.memory_space<vmem>>
      %dma_start3A_187 = arith.constant 0 : i32
      %dma_start3A_188 = arith.constant 0 : i32
      %dma_start3A_189 = tpu.memref_slice %arg10[%dma_start3A_187, %dma_start3A_188] : memref<400x64xf32, #tpu.memory_space<vmem_shared>> -> memref<400x64xf32, #tpu.memory_space<vmem_shared>>
      tpu.enqueue_indirect_dma source(%dma_start3A_189 : memref<400x64xf32, #tpu.memory_space<vmem_shared>>) target(%dma_start3A_183 : memref<104x64xf32, #tpu.memory_space<vmem>>) offsets(%dma_start3A_186 : memref<104xi32, #tpu.memory_space<vmem>>) semaphore(%arg11 : memref<!tpu.dma_semaphore, #tpu.memory_space<semaphore_mem>>) {add = true}
      %dma_start3A_190 = arith.constant 0 : i32
      %dma_start3A_191 = arith.constant 0 : i32
      %dma_start3A_192 = arith.constant 1 : i32
      %dma_start3A_193 = arith.constant 0 : i32
      %dma_start3A_194 = arith.constant 0 : i32
      %dma_start3A_195 = tpu.memref_slice %arg9[%dma_start3A_191, %dma_start3A_192, %dma_start3A_193, %dma_start3A_194] : memref<2x2x200x64xf32, #tpu.memory_space<vmem>> -> memref<1x1x96x64xf32, #tpu.memory_space<vmem>>
      %dma_start3A_196 = tpu.memref_squeeze %dma_start3A_195 : memref<1x1x96x64xf32, #tpu.memory_space<vmem>> -> memref<96x64xf32, #tpu.memory_space<vmem>>
      %dma_start3A_197 = arith.constant 200 : i32
      %dma_start3A_198 = tpu.memref_slice %arg8[%dma_start3A_190, %dma_start3A_197] : memref<2x400xi32, #tpu.memory_space<vmem>> -> memref<1x96xi32, #tpu.memory_space<vmem>>
      %dma_start3A_199 = tpu.memref_squeeze %dma_start3A_198 : memref<1x96xi32, #tpu.memory_space<vmem>> -> memref<96xi32, #tpu.memory_space<vmem>>
      %dma_start3A_200 = arith.constant 0 : i32
      %dma_start3A_201 = arith.constant 0 : i32
      %dma_start3A_202 = tpu.memref_slice %arg10[%dma_start3A_200, %dma_start3A_201] : memref<400x64xf32, #tpu.memory_space<vmem_shared>> -> memref<400x64xf32, #tpu.memory_space<vmem_shared>>
      tpu.enqueue_indirect_dma source(%dma_start3A_202 : memref<400x64xf32, #tpu.memory_space<vmem_shared>>) target(%dma_start3A_196 : memref<96x64xf32, #tpu.memory_space<vmem>>) offsets(%dma_start3A_199 : memref<96xi32, #tpu.memory_space<vmem>>) semaphore(%arg11 : memref<!tpu.dma_semaphore, #tpu.memory_space<semaphore_mem>>) {add = true}
      %dma_start3A_203 = arith.constant 0 : i32
      %dma_start3A_204 = arith.constant 0 : i32
      %dma_start3A_205 = arith.constant 1 : i32
      %dma_start3A_206 = arith.constant 96 : i32
      %dma_start3A_207 = arith.constant 0 : i32
      %dma_start3A_208 = tpu.memref_slice %arg9[%dma_start3A_204, %dma_start3A_205, %dma_start3A_206, %dma_start3A_207] : memref<2x2x200x64xf32, #tpu.memory_space<vmem>> -> memref<1x1x104x64xf32, #tpu.memory_space<vmem>>
      %dma_start3A_209 = tpu.memref_squeeze %dma_start3A_208 : memref<1x1x104x64xf32, #tpu.memory_space<vmem>> -> memref<104x64xf32, #tpu.memory_space<vmem>>
      %dma_start3A_210 = arith.constant 296 : i32
      %dma_start3A_211 = tpu.memref_slice %arg8[%dma_start3A_203, %dma_start3A_210] : memref<2x400xi32, #tpu.memory_space<vmem>> -> memref<1x104xi32, #tpu.memory_space<vmem>>
      %dma_start3A_212 = tpu.memref_squeeze %dma_start3A_211 : memref<1x104xi32, #tpu.memory_space<vmem>> -> memref<104xi32, #tpu.memory_space<vmem>>
      %dma_start3A_213 = arith.constant 0 : i32
      %dma_start3A_214 = arith.constant 0 : i32
      %dma_start3A_215 = tpu.memref_slice %arg10[%dma_start3A_213, %dma_start3A_214] : memref<400x64xf32, #tpu.memory_space<vmem_shared>> -> memref<400x64xf32, #tpu.memory_space<vmem_shared>>
      tpu.enqueue_indirect_dma source(%dma_start3A_215 : memref<400x64xf32, #tpu.memory_space<vmem_shared>>) target(%dma_start3A_209 : memref<104x64xf32, #tpu.memory_space<vmem>>) offsets(%dma_start3A_212 : memref<104xi32, #tpu.memory_space<vmem>>) semaphore(%arg11 : memref<!tpu.dma_semaphore, #tpu.memory_space<semaphore_mem>>) {add = true}
      %dma_wait3A_216 = arith.constant 0 : i32
      %dma_wait3A_217 = arith.constant 0 : i32
      %dma_wait3A_218 = arith.constant 0 : i32
      %dma_wait3A_219 = arith.constant 0 : i32
      %dma_wait3A_220 = arith.constant 0 : i32
      %dma_wait3A_221 = tpu.memref_slice %arg9[%dma_wait3A_217, %dma_wait3A_218, %dma_wait3A_219, %dma_wait3A_220] : memref<2x2x200x64xf32, #tpu.memory_space<vmem>> -> memref<1x1x96x64xf32, #tpu.memory_space<vmem>>
      %dma_wait3A_222 = tpu.memref_squeeze %dma_wait3A_221 : memref<1x1x96x64xf32, #tpu.memory_space<vmem>> -> memref<96x64xf32, #tpu.memory_space<vmem>>
      %dma_wait3A_223 = arith.constant 0 : i32
      %dma_wait3A_224 = tpu.memref_slice %arg8[%dma_wait3A_216, %dma_wait3A_223] : memref<2x400xi32, #tpu.memory_space<vmem>> -> memref<1x96xi32, #tpu.memory_space<vmem>>
      %dma_wait3A_225 = tpu.memref_squeeze %dma_wait3A_224 : memref<1x96xi32, #tpu.memory_space<vmem>> -> memref<96xi32, #tpu.memory_space<vmem>>
      %dma_wait3A_226 = arith.constant 0 : i32
      %dma_wait3A_227 = arith.constant 0 : i32
      %dma_wait3A_228 = tpu.memref_slice %arg10[%dma_wait3A_226, %dma_wait3A_227] : memref<400x64xf32, #tpu.memory_space<vmem_shared>> -> memref<400x64xf32, #tpu.memory_space<vmem_shared>>
      tpu.wait_indirect_dma semaphore(%arg11 : memref<!tpu.dma_semaphore, #tpu.memory_space<semaphore_mem>>) src(%dma_wait3A_228 : memref<400x64xf32, #tpu.memory_space<vmem_shared>>) dst(%dma_wait3A_222 : memref<96x64xf32, #tpu.memory_space<vmem>>)
      %dma_wait3A_229 = arith.constant 0 : i32
      %dma_wait3A_230 = arith.constant 0 : i32
      %dma_wait3A_231 = arith.constant 0 : i32
      %dma_wait3A_232 = arith.constant 96 : i32
      %dma_wait3A_233 = arith.constant 0 : i32
      %dma_wait3A_234 = tpu.memref_slice %arg9[%dma_wait3A_230, %dma_wait3A_231, %dma_wait3A_232, %dma_wait3A_233] : memref<2x2x200x64xf32, #tpu.memory_space<vmem>> -> memref<1x1x104x64xf32, #tpu.memory_space<vmem>>
      %dma_wait3A_235 = tpu.memref_squeeze %dma_wait3A_234 : memref<1x1x104x64xf32, #tpu.memory_space<vmem>> -> memref<104x64xf32, #tpu.memory_space<vmem>>
      %dma_wait3A_236 = arith.constant 96 : i32
      %dma_wait3A_237 = tpu.memref_slice %arg8[%dma_wait3A_229, %dma_wait3A_236] : memref<2x400xi32, #tpu.memory_space<vmem>> -> memref<1x104xi32, #tpu.memory_space<vmem>>
      %dma_wait3A_238 = tpu.memref_squeeze %dma_wait3A_237 : memref<1x104xi32, #tpu.memory_space<vmem>> -> memref<104xi32, #tpu.memory_space<vmem>>
      %dma_wait3A_239 = arith.constant 0 : i32
      %dma_wait3A_240 = arith.constant 0 : i32
      %dma_wait3A_241 = tpu.memref_slice %arg10[%dma_wait3A_239, %dma_wait3A_240] : memref<400x64xf32, #tpu.memory_space<vmem_shared>> -> memref<400x64xf32, #tpu.memory_space<vmem_shared>>
      tpu.wait_indirect_dma semaphore(%arg11 : memref<!tpu.dma_semaphore, #tpu.memory_space<semaphore_mem>>) src(%dma_wait3A_241 : memref<400x64xf32, #tpu.memory_space<vmem_shared>>) dst(%dma_wait3A_235 : memref<104x64xf32, #tpu.memory_space<vmem>>)
      %dma_wait3A_242 = arith.constant 0 : i32
      %dma_wait3A_243 = arith.constant 0 : i32
      %dma_wait3A_244 = arith.constant 1 : i32
      %dma_wait3A_245 = arith.constant 0 : i32
      %dma_wait3A_246 = arith.constant 0 : i32
      %dma_wait3A_247 = tpu.memref_slice %arg9[%dma_wait3A_243, %dma_wait3A_244, %dma_wait3A_245, %dma_wait3A_246] : memref<2x2x200x64xf32, #tpu.memory_space<vmem>> -> memref<1x1x96x64xf32, #tpu.memory_space<vmem>>
      %dma_wait3A_248 = tpu.memref_squeeze %dma_wait3A_247 : memref<1x1x96x64xf32, #tpu.memory_space<vmem>> -> memref<96x64xf32, #tpu.memory_space<vmem>>
      %dma_wait3A_249 = arith.constant 200 : i32
      %dma_wait3A_250 = tpu.memref_slice %arg8[%dma_wait3A_242, %dma_wait3A_249] : memref<2x400xi32, #tpu.memory_space<vmem>> -> memref<1x96xi32, #tpu.memory_space<vmem>>
      %dma_wait3A_251 = tpu.memref_squeeze %dma_wait3A_250 : memref<1x96xi32, #tpu.memory_space<vmem>> -> memref<96xi32, #tpu.memory_space<vmem>>
      %dma_wait3A_252 = arith.constant 0 : i32
      %dma_wait3A_253 = arith.constant 0 : i32
      %dma_wait3A_254 = tpu.memref_slice %arg10[%dma_wait3A_252, %dma_wait3A_253] : memref<400x64xf32, #tpu.memory_space<vmem_shared>> -> memref<400x64xf32, #tpu.memory_space<vmem_shared>>
      tpu.wait_indirect_dma semaphore(%arg11 : memref<!tpu.dma_semaphore, #tpu.memory_space<semaphore_mem>>) src(%dma_wait3A_254 : memref<400x64xf32, #tpu.memory_space<vmem_shared>>) dst(%dma_wait3A_248 : memref<96x64xf32, #tpu.memory_space<vmem>>)
      %dma_wait3A_255 = arith.constant 0 : i32
      %dma_wait3A_256 = arith.constant 0 : i32
      %dma_wait3A_257 = arith.constant 1 : i32
      %dma_wait3A_258 = arith.constant 96 : i32
      %dma_wait3A_259 = arith.constant 0 : i32
      %dma_wait3A_260 = tpu.memref_slice %arg9[%dma_wait3A_256, %dma_wait3A_257, %dma_wait3A_258, %dma_wait3A_259] : memref<2x2x200x64xf32, #tpu.memory_space<vmem>> -> memref<1x1x104x64xf32, #tpu.memory_space<vmem>>
      %dma_wait3A_261 = tpu.memref_squeeze %dma_wait3A_260 : memref<1x1x104x64xf32, #tpu.memory_space<vmem>> -> memref<104x64xf32, #tpu.memory_space<vmem>>
      %dma_wait3A_262 = arith.constant 296 : i32
      %dma_wait3A_263 = tpu.memref_slice %arg8[%dma_wait3A_255, %dma_wait3A_262] : memref<2x400xi32, #tpu.memory_space<vmem>> -> memref<1x104xi32, #tpu.memory_space<vmem>>
      %dma_wait3A_264 = tpu.memref_squeeze %dma_wait3A_263 : memref<1x104xi32, #tpu.memory_space<vmem>> -> memref<104xi32, #tpu.memory_space<vmem>>
      %dma_wait3A_265 = arith.constant 0 : i32
      %dma_wait3A_266 = arith.constant 0 : i32
      %dma_wait3A_267 = tpu.memref_slice %arg10[%dma_wait3A_265, %dma_wait3A_266] : memref<400x64xf32, #tpu.memory_space<vmem_shared>> -> memref<400x64xf32, #tpu.memory_space<vmem_shared>>
      tpu.wait_indirect_dma semaphore(%arg11 : memref<!tpu.dma_semaphore, #tpu.memory_space<semaphore_mem>>) src(%dma_wait3A_267 : memref<400x64xf32, #tpu.memory_space<vmem_shared>>) dst(%dma_wait3A_261 : memref<104x64xf32, #tpu.memory_space<vmem>>)
      %mul3A_268 = arith.constant 128 : i32
      %mul3A_269 = arith.muli %add3A, %mul3A_268 : i32
      %mul3A_270 = arith.constant 2 : i32
      %mul3A_271 = arith.muli %mul3A_105, %mul3A_270 : i32
      %add3A_272 = arith.addi %mul3A_269, %mul3A_271 : i32
      %dma_start3A_273 = arith.constant 0 : i32
      %dma_start3A_274 = arith.constant 0 : i32
      %dma_start3A_275 = arith.constant 0 : i32
      %dma_start3A_276 = arith.constant 0 : i32
      %dma_start3A_277 = tpu.memref_slice %arg9[%dma_start3A_273, %dma_start3A_274, %dma_start3A_275, %dma_start3A_276] : memref<2x2x200x64xf32, #tpu.memory_space<vmem>> -> memref<1x2x200x64xf32, #tpu.memory_space<vmem>>
      %dma_start3A_278 = tpu.memref_squeeze %dma_start3A_277 : memref<1x2x200x64xf32, #tpu.memory_space<vmem>> -> memref<2x200x64xf32, #tpu.memory_space<vmem>>
      %dma_start3A_279 = arith.constant 0 : i32
      %dma_start3A_280 = arith.constant 0 : i32
      %dma_start3A_281 = tpu.memref_slice %arg6[%add3A_272, %dma_start3A_279, %dma_start3A_280] : memref<4096x200x64xf32, #tpu.memory_space<hbm>> -> memref<2x200x64xf32, #tpu.memory_space<hbm>>
      %dma_start3A_282 = arith.constant 0 : i32
      %dma_start3A_283 = arith.constant 0 : i32
      %dma_start3A_284 = tpu.memref_slice %arg6[%add3A_272, %dma_start3A_282, %dma_start3A_283] : memref<4096x200x64xf32, #tpu.memory_space<hbm>> -> memref<2x200x64xf32, #tpu.memory_space<hbm>>
      %dma_start3A_285 = arith.constant 0 : i32
      %dma_start3A_286 = arith.constant 0 : i32
      %dma_start3A_287 = arith.constant 0 : i32
      %dma_start3A_288 = tpu.memref_slice %arg9[%dma_start3A_273, %dma_start3A_285, %dma_start3A_286, %dma_start3A_287] : memref<2x2x200x64xf32, #tpu.memory_space<vmem>> -> memref<1x2x200x64xf32, #tpu.memory_space<vmem>>
      %dma_start3A_289 = tpu.memref_squeeze %dma_start3A_288 : memref<1x2x200x64xf32, #tpu.memory_space<vmem>> -> memref<2x200x64xf32, #tpu.memory_space<vmem>>
      tpu.enqueue_dma source(%dma_start3A_289 : memref<2x200x64xf32, #tpu.memory_space<vmem>>) target(%dma_start3A_284 : memref<2x200x64xf32, #tpu.memory_space<hbm>>) target_semaphore(%arg13 : memref<!tpu.dma_semaphore, #tpu.memory_space<semaphore_mem>>)
      %dma_wait3A_290 = arith.constant 1 : i32
      %dma_wait3A_291 = arith.constant 1 : i32
      %dma_wait3A_292 = arith.constant 0 : i32
      %dma_wait3A_293 = arith.constant 0 : i32
      %dma_wait3A_294 = arith.constant 0 : i32
      %dma_wait3A_295 = tpu.memref_slice %arg9[%dma_wait3A_291, %dma_wait3A_292, %dma_wait3A_293, %dma_wait3A_294] : memref<2x2x200x64xf32, #tpu.memory_space<vmem>> -> memref<1x1x96x64xf32, #tpu.memory_space<vmem>>
      %dma_wait3A_296 = tpu.memref_squeeze %dma_wait3A_295 : memref<1x1x96x64xf32, #tpu.memory_space<vmem>> -> memref<96x64xf32, #tpu.memory_space<vmem>>
      %dma_wait3A_297 = arith.constant 0 : i32
      %dma_wait3A_298 = tpu.memref_slice %arg7[%dma_wait3A_290, %dma_wait3A_297] : memref<2x400xi32, #tpu.memory_space<vmem>> -> memref<1x96xi32, #tpu.memory_space<vmem>>
      %dma_wait3A_299 = tpu.memref_squeeze %dma_wait3A_298 : memref<1x96xi32, #tpu.memory_space<vmem>> -> memref<96xi32, #tpu.memory_space<vmem>>
      %dma_wait3A_300 = arith.constant 0 : i32
      %dma_wait3A_301 = arith.constant 0 : i32
      %dma_wait3A_302 = tpu.memref_slice %arg4[%dma_wait3A_300, %dma_wait3A_301] : memref<2000000x64xf32, #tpu.memory_space<hbm>> -> memref<2000000x64xf32, #tpu.memory_space<hbm>>
      tpu.wait_indirect_dma semaphore(%arg12 : memref<!tpu.dma_semaphore, #tpu.memory_space<semaphore_mem>>) src(%dma_wait3A_302 : memref<2000000x64xf32, #tpu.memory_space<hbm>>) dst(%dma_wait3A_296 : memref<96x64xf32, #tpu.memory_space<vmem>>)
      %dma_wait3A_303 = arith.constant 1 : i32
      %dma_wait3A_304 = arith.constant 1 : i32
      %dma_wait3A_305 = arith.constant 0 : i32
      %dma_wait3A_306 = arith.constant 96 : i32
      %dma_wait3A_307 = arith.constant 0 : i32
      %dma_wait3A_308 = tpu.memref_slice %arg9[%dma_wait3A_304, %dma_wait3A_305, %dma_wait3A_306, %dma_wait3A_307] : memref<2x2x200x64xf32, #tpu.memory_space<vmem>> -> memref<1x1x104x64xf32, #tpu.memory_space<vmem>>
      %dma_wait3A_309 = tpu.memref_squeeze %dma_wait3A_308 : memref<1x1x104x64xf32, #tpu.memory_space<vmem>> -> memref<104x64xf32, #tpu.memory_space<vmem>>
      %dma_wait3A_310 = arith.constant 96 : i32
      %dma_wait3A_311 = tpu.memref_slice %arg7[%dma_wait3A_303, %dma_wait3A_310] : memref<2x400xi32, #tpu.memory_space<vmem>> -> memref<1x104xi32, #tpu.memory_space<vmem>>
      %dma_wait3A_312 = tpu.memref_squeeze %dma_wait3A_311 : memref<1x104xi32, #tpu.memory_space<vmem>> -> memref<104xi32, #tpu.memory_space<vmem>>
      %dma_wait3A_313 = arith.constant 0 : i32
      %dma_wait3A_314 = arith.constant 0 : i32
      %dma_wait3A_315 = tpu.memref_slice %arg4[%dma_wait3A_313, %dma_wait3A_314] : memref<2000000x64xf32, #tpu.memory_space<hbm>> -> memref<2000000x64xf32, #tpu.memory_space<hbm>>
      tpu.wait_indirect_dma semaphore(%arg12 : memref<!tpu.dma_semaphore, #tpu.memory_space<semaphore_mem>>) src(%dma_wait3A_315 : memref<2000000x64xf32, #tpu.memory_space<hbm>>) dst(%dma_wait3A_309 : memref<104x64xf32, #tpu.memory_space<vmem>>)
      %dma_wait3A_316 = arith.constant 1 : i32
      %dma_wait3A_317 = arith.constant 1 : i32
      %dma_wait3A_318 = arith.constant 1 : i32
      %dma_wait3A_319 = arith.constant 0 : i32
      %dma_wait3A_320 = arith.constant 0 : i32
      %dma_wait3A_321 = tpu.memref_slice %arg9[%dma_wait3A_317, %dma_wait3A_318, %dma_wait3A_319, %dma_wait3A_320] : memref<2x2x200x64xf32, #tpu.memory_space<vmem>> -> memref<1x1x96x64xf32, #tpu.memory_space<vmem>>
      %dma_wait3A_322 = tpu.memref_squeeze %dma_wait3A_321 : memref<1x1x96x64xf32, #tpu.memory_space<vmem>> -> memref<96x64xf32, #tpu.memory_space<vmem>>
      %dma_wait3A_323 = arith.constant 200 : i32
      %dma_wait3A_324 = tpu.memref_slice %arg7[%dma_wait3A_316, %dma_wait3A_323] : memref<2x400xi32, #tpu.memory_space<vmem>> -> memref<1x96xi32, #tpu.memory_space<vmem>>
      %dma_wait3A_325 = tpu.memref_squeeze %dma_wait3A_324 : memref<1x96xi32, #tpu.memory_space<vmem>> -> memref<96xi32, #tpu.memory_space<vmem>>
      %dma_wait3A_326 = arith.constant 0 : i32
      %dma_wait3A_327 = arith.constant 0 : i32
      %dma_wait3A_328 = tpu.memref_slice %arg4[%dma_wait3A_326, %dma_wait3A_327] : memref<2000000x64xf32, #tpu.memory_space<hbm>> -> memref<2000000x64xf32, #tpu.memory_space<hbm>>
      tpu.wait_indirect_dma semaphore(%arg12 : memref<!tpu.dma_semaphore, #tpu.memory_space<semaphore_mem>>) src(%dma_wait3A_328 : memref<2000000x64xf32, #tpu.memory_space<hbm>>) dst(%dma_wait3A_322 : memref<96x64xf32, #tpu.memory_space<vmem>>)
      %dma_wait3A_329 = arith.constant 1 : i32
      %dma_wait3A_330 = arith.constant 1 : i32
      %dma_wait3A_331 = arith.constant 1 : i32
      %dma_wait3A_332 = arith.constant 96 : i32
      %dma_wait3A_333 = arith.constant 0 : i32
      %dma_wait3A_334 = tpu.memref_slice %arg9[%dma_wait3A_330, %dma_wait3A_331, %dma_wait3A_332, %dma_wait3A_333] : memref<2x2x200x64xf32, #tpu.memory_space<vmem>> -> memref<1x1x104x64xf32, #tpu.memory_space<vmem>>
      %dma_wait3A_335 = tpu.memref_squeeze %dma_wait3A_334 : memref<1x1x104x64xf32, #tpu.memory_space<vmem>> -> memref<104x64xf32, #tpu.memory_space<vmem>>
      %dma_wait3A_336 = arith.constant 296 : i32
      %dma_wait3A_337 = tpu.memref_slice %arg7[%dma_wait3A_329, %dma_wait3A_336] : memref<2x400xi32, #tpu.memory_space<vmem>> -> memref<1x104xi32, #tpu.memory_space<vmem>>
      %dma_wait3A_338 = tpu.memref_squeeze %dma_wait3A_337 : memref<1x104xi32, #tpu.memory_space<vmem>> -> memref<104xi32, #tpu.memory_space<vmem>>
      %dma_wait3A_339 = arith.constant 0 : i32
      %dma_wait3A_340 = arith.constant 0 : i32
      %dma_wait3A_341 = tpu.memref_slice %arg4[%dma_wait3A_339, %dma_wait3A_340] : memref<2000000x64xf32, #tpu.memory_space<hbm>> -> memref<2000000x64xf32, #tpu.memory_space<hbm>>
      tpu.wait_indirect_dma semaphore(%arg12 : memref<!tpu.dma_semaphore, #tpu.memory_space<semaphore_mem>>) src(%dma_wait3A_341 : memref<2000000x64xf32, #tpu.memory_space<hbm>>) dst(%dma_wait3A_335 : memref<104x64xf32, #tpu.memory_space<vmem>>)
      %add3A_342 = arith.constant 2 : i32
      %add3A_343 = arith.addi %mul3A_105, %add3A_342 : i32
      %lt3A_344 = arith.constant 64 : i32
      %lt3A_345 = arith.cmpi slt, %add3A_343, %lt3A_344 : i32
      %convert_element_type3A_346 = arith.extui %lt3A_345 : i1 to i32
      %cond3A_347 = arith.constant 0 : i32
      %cond3A_348 = arith.cmpi ne, %convert_element_type3A_346, %cond3A_347 : i32
      scf.if %cond3A_348 {
        %dma_wait3A_484 = arith.constant 0 : i32
        %dma_wait3A_485 = arith.constant 0 : i32
        %dma_wait3A_486 = arith.constant 0 : i32
        %dma_wait3A_487 = arith.constant 0 : i32
        %dma_wait3A_488 = tpu.memref_slice %arg9[%dma_wait3A_484, %dma_wait3A_485, %dma_wait3A_486, %dma_wait3A_487] : memref<2x2x200x64xf32, #tpu.memory_space<vmem>> -> memref<1x2x200x64xf32, #tpu.memory_space<vmem>>
        %dma_wait3A_489 = tpu.memref_squeeze %dma_wait3A_488 : memref<1x2x200x64xf32, #tpu.memory_space<vmem>> -> memref<2x200x64xf32, #tpu.memory_space<vmem>>
        %dma_wait3A_490 = arith.constant 0 : i32
        %dma_wait3A_491 = arith.constant 0 : i32
        %dma_wait3A_492 = arith.constant 0 : i32
        %dma_wait3A_493 = tpu.memref_slice %arg6[%dma_wait3A_490, %dma_wait3A_491, %dma_wait3A_492] : memref<4096x200x64xf32, #tpu.memory_space<hbm>> -> memref<2x200x64xf32, #tpu.memory_space<hbm>>
        %dma_wait3A_494 = arith.constant 0 : i32
        %dma_wait3A_495 = arith.constant 0 : i32
        %dma_wait3A_496 = arith.constant 0 : i32
        %dma_wait3A_497 = tpu.memref_slice %arg6[%dma_wait3A_494, %dma_wait3A_495, %dma_wait3A_496] : memref<4096x200x64xf32, #tpu.memory_space<hbm>> -> memref<2x200x64xf32, #tpu.memory_space<hbm>>
        %dma_wait3A_498 = arith.constant 0 : i32
        %dma_wait3A_499 = arith.constant 0 : i32
        %dma_wait3A_500 = arith.constant 0 : i32
        %dma_wait3A_501 = tpu.memref_slice %arg9[%dma_wait3A_484, %dma_wait3A_498, %dma_wait3A_499, %dma_wait3A_500] : memref<2x2x200x64xf32, #tpu.memory_space<vmem>> -> memref<1x2x200x64xf32, #tpu.memory_space<vmem>>
        %dma_wait3A_502 = tpu.memref_squeeze %dma_wait3A_501 : memref<1x2x200x64xf32, #tpu.memory_space<vmem>> -> memref<2x200x64xf32, #tpu.memory_space<vmem>>
        tpu.wait_dma2 semaphore(%arg13 : memref<!tpu.dma_semaphore, #tpu.memory_space<semaphore_mem>>) src(%dma_wait3A_502 : memref<2x200x64xf32, #tpu.memory_space<vmem>>) dst(%dma_wait3A_497 : memref<2x200x64xf32, #tpu.memory_space<hbm>>)
        %add3A_503 = arith.constant 2 : i32
        %add3A_504 = arith.addi %mul3A_105, %add3A_503 : i32
        %mul3A_505 = arith.constant 64 : i32
        %mul3A_506 = arith.muli %add3A, %mul3A_505 : i32
        %add3A_507 = arith.addi %mul3A_506, %add3A_504 : i32
        %mul3A_508 = arith.constant 400 : i32
        %mul3A_509 = arith.muli %add3A_507, %mul3A_508 : i32
        %run_scoped3A_510 = arith.constant 0 : i32
        "tpu.region"() ({
          %run_scoped3A_564 = tpu.sem_alloc : memref<!tpu.dma_semaphore, #tpu.memory_space<semaphore_mem>>
          %dma_start3A_565 = arith.constant 0 : i32
          %dma_start3A_566 = tpu.memref_slice %arg7[%run_scoped3A_510, %dma_start3A_565] : memref<2x400xi32, #tpu.memory_space<vmem>> -> memref<1x400xi32, #tpu.memory_space<vmem>>
          %dma_start3A_567 = tpu.memref_squeeze %dma_start3A_566 : memref<1x400xi32, #tpu.memory_space<vmem>> -> memref<400xi32, #tpu.memory_space<vmem>>
          %dma_start3A_568 = tpu.memref_slice %arg2[%mul3A_509] : memref<819200xi32, #tpu.memory_space<hbm>> -> memref<400xi32, #tpu.memory_space<hbm>>
          %dma_start3A_569 = arith.constant 0 : i32
          %dma_start3A_570 = tpu.memref_slice %arg7[%run_scoped3A_510, %dma_start3A_569] : memref<2x400xi32, #tpu.memory_space<vmem>> -> memref<1x400xi32, #tpu.memory_space<vmem>>
          %dma_start3A_571 = tpu.memref_squeeze %dma_start3A_570 : memref<1x400xi32, #tpu.memory_space<vmem>> -> memref<400xi32, #tpu.memory_space<vmem>>
          %dma_start3A_572 = tpu.memref_slice %arg2[%mul3A_509] : memref<819200xi32, #tpu.memory_space<hbm>> -> memref<400xi32, #tpu.memory_space<hbm>>
          tpu.enqueue_dma source(%dma_start3A_572 : memref<400xi32, #tpu.memory_space<hbm>>) target(%dma_start3A_571 : memref<400xi32, #tpu.memory_space<vmem>>) target_semaphore(%run_scoped3A_564 : memref<!tpu.dma_semaphore, #tpu.memory_space<semaphore_mem>>)
          %dma_wait3A_573 = arith.constant 0 : i32
          %dma_wait3A_574 = tpu.memref_slice %arg7[%run_scoped3A_510, %dma_wait3A_573] : memref<2x400xi32, #tpu.memory_space<vmem>> -> memref<1x400xi32, #tpu.memory_space<vmem>>
          %dma_wait3A_575 = tpu.memref_squeeze %dma_wait3A_574 : memref<1x400xi32, #tpu.memory_space<vmem>> -> memref<400xi32, #tpu.memory_space<vmem>>
          %dma_wait3A_576 = tpu.memref_slice %arg2[%mul3A_509] : memref<819200xi32, #tpu.memory_space<hbm>> -> memref<400xi32, #tpu.memory_space<hbm>>
          %dma_wait3A_577 = arith.constant 0 : i32
          %dma_wait3A_578 = tpu.memref_slice %arg7[%run_scoped3A_510, %dma_wait3A_577] : memref<2x400xi32, #tpu.memory_space<vmem>> -> memref<1x400xi32, #tpu.memory_space<vmem>>
          %dma_wait3A_579 = tpu.memref_squeeze %dma_wait3A_578 : memref<1x400xi32, #tpu.memory_space<vmem>> -> memref<400xi32, #tpu.memory_space<vmem>>
          %dma_wait3A_580 = tpu.memref_slice %arg2[%mul3A_509] : memref<819200xi32, #tpu.memory_space<hbm>> -> memref<400xi32, #tpu.memory_space<hbm>>
          tpu.wait_dma2 semaphore(%run_scoped3A_564 : memref<!tpu.dma_semaphore, #tpu.memory_space<semaphore_mem>>) src(%dma_wait3A_580 : memref<400xi32, #tpu.memory_space<hbm>>) dst(%dma_wait3A_579 : memref<400xi32, #tpu.memory_space<vmem>>)
          tpu.yield
        }) : () -> ()
        %run_scoped3A_511 = arith.constant 0 : i32
        "tpu.region"() ({
          %run_scoped3A_564 = tpu.sem_alloc : memref<!tpu.dma_semaphore, #tpu.memory_space<semaphore_mem>>
          %dma_start3A_565 = arith.constant 0 : i32
          %dma_start3A_566 = tpu.memref_slice %arg8[%run_scoped3A_511, %dma_start3A_565] : memref<2x400xi32, #tpu.memory_space<vmem>> -> memref<1x400xi32, #tpu.memory_space<vmem>>
          %dma_start3A_567 = tpu.memref_squeeze %dma_start3A_566 : memref<1x400xi32, #tpu.memory_space<vmem>> -> memref<400xi32, #tpu.memory_space<vmem>>
          %dma_start3A_568 = tpu.memref_slice %arg3[%mul3A_509] : memref<819200xi32, #tpu.memory_space<hbm>> -> memref<400xi32, #tpu.memory_space<hbm>>
          %dma_start3A_569 = arith.constant 0 : i32
          %dma_start3A_570 = tpu.memref_slice %arg8[%run_scoped3A_511, %dma_start3A_569] : memref<2x400xi32, #tpu.memory_space<vmem>> -> memref<1x400xi32, #tpu.memory_space<vmem>>
          %dma_start3A_571 = tpu.memref_squeeze %dma_start3A_570 : memref<1x400xi32, #tpu.memory_space<vmem>> -> memref<400xi32, #tpu.memory_space<vmem>>
          %dma_start3A_572 = tpu.memref_slice %arg3[%mul3A_509] : memref<819200xi32, #tpu.memory_space<hbm>> -> memref<400xi32, #tpu.memory_space<hbm>>
          tpu.enqueue_dma source(%dma_start3A_572 : memref<400xi32, #tpu.memory_space<hbm>>) target(%dma_start3A_571 : memref<400xi32, #tpu.memory_space<vmem>>) target_semaphore(%run_scoped3A_564 : memref<!tpu.dma_semaphore, #tpu.memory_space<semaphore_mem>>)
          %dma_wait3A_573 = arith.constant 0 : i32
          %dma_wait3A_574 = tpu.memref_slice %arg8[%run_scoped3A_511, %dma_wait3A_573] : memref<2x400xi32, #tpu.memory_space<vmem>> -> memref<1x400xi32, #tpu.memory_space<vmem>>
          %dma_wait3A_575 = tpu.memref_squeeze %dma_wait3A_574 : memref<1x400xi32, #tpu.memory_space<vmem>> -> memref<400xi32, #tpu.memory_space<vmem>>
          %dma_wait3A_576 = tpu.memref_slice %arg3[%mul3A_509] : memref<819200xi32, #tpu.memory_space<hbm>> -> memref<400xi32, #tpu.memory_space<hbm>>
          %dma_wait3A_577 = arith.constant 0 : i32
          %dma_wait3A_578 = tpu.memref_slice %arg8[%run_scoped3A_511, %dma_wait3A_577] : memref<2x400xi32, #tpu.memory_space<vmem>> -> memref<1x400xi32, #tpu.memory_space<vmem>>
          %dma_wait3A_579 = tpu.memref_squeeze %dma_wait3A_578 : memref<1x400xi32, #tpu.memory_space<vmem>> -> memref<400xi32, #tpu.memory_space<vmem>>
          %dma_wait3A_580 = tpu.memref_slice %arg3[%mul3A_509] : memref<819200xi32, #tpu.memory_space<hbm>> -> memref<400xi32, #tpu.memory_space<hbm>>
          tpu.wait_dma2 semaphore(%run_scoped3A_564 : memref<!tpu.dma_semaphore, #tpu.memory_space<semaphore_mem>>) src(%dma_wait3A_580 : memref<400xi32, #tpu.memory_space<hbm>>) dst(%dma_wait3A_579 : memref<400xi32, #tpu.memory_space<vmem>>)
          tpu.yield
        }) : () -> ()
        %dma_start3A_512 = arith.constant 0 : i32
        %dma_start3A_513 = arith.constant 0 : i32
        %dma_start3A_514 = arith.constant 0 : i32
        %dma_start3A_515 = arith.constant 0 : i32
        %dma_start3A_516 = arith.constant 0 : i32
        %dma_start3A_517 = tpu.memref_slice %arg9[%dma_start3A_513, %dma_start3A_514, %dma_start3A_515, %dma_start3A_516] : memref<2x2x200x64xf32, #tpu.memory_space<vmem>> -> memref<1x1x96x64xf32, #tpu.memory_space<vmem>>
        %dma_start3A_518 = tpu.memref_squeeze %dma_start3A_517 : memref<1x1x96x64xf32, #tpu.memory_space<vmem>> -> memref<96x64xf32, #tpu.memory_space<vmem>>
        %dma_start3A_519 = arith.constant 0 : i32
        %dma_start3A_520 = tpu.memref_slice %arg7[%dma_start3A_512, %dma_start3A_519] : memref<2x400xi32, #tpu.memory_space<vmem>> -> memref<1x96xi32, #tpu.memory_space<vmem>>
        %dma_start3A_521 = tpu.memref_squeeze %dma_start3A_520 : memref<1x96xi32, #tpu.memory_space<vmem>> -> memref<96xi32, #tpu.memory_space<vmem>>
        %dma_start3A_522 = arith.constant 0 : i32
        %dma_start3A_523 = arith.constant 0 : i32
        %dma_start3A_524 = tpu.memref_slice %arg4[%dma_start3A_522, %dma_start3A_523] : memref<2000000x64xf32, #tpu.memory_space<hbm>> -> memref<2000000x64xf32, #tpu.memory_space<hbm>>
        tpu.enqueue_indirect_dma source(%dma_start3A_524 : memref<2000000x64xf32, #tpu.memory_space<hbm>>) target(%dma_start3A_518 : memref<96x64xf32, #tpu.memory_space<vmem>>) offsets(%dma_start3A_521 : memref<96xi32, #tpu.memory_space<vmem>>) semaphore(%arg11 : memref<!tpu.dma_semaphore, #tpu.memory_space<semaphore_mem>>)
        %dma_start3A_525 = arith.constant 0 : i32
        %dma_start3A_526 = arith.constant 0 : i32
        %dma_start3A_527 = arith.constant 0 : i32
        %dma_start3A_528 = arith.constant 96 : i32
        %dma_start3A_529 = arith.constant 0 : i32
        %dma_start3A_530 = tpu.memref_slice %arg9[%dma_start3A_526, %dma_start3A_527, %dma_start3A_528, %dma_start3A_529] : memref<2x2x200x64xf32, #tpu.memory_space<vmem>> -> memref<1x1x104x64xf32, #tpu.memory_space<vmem>>
        %dma_start3A_531 = tpu.memref_squeeze %dma_start3A_530 : memref<1x1x104x64xf32, #tpu.memory_space<vmem>> -> memref<104x64xf32, #tpu.memory_space<vmem>>
        %dma_start3A_532 = arith.constant 96 : i32
        %dma_start3A_533 = tpu.memref_slice %arg7[%dma_start3A_525, %dma_start3A_532] : memref<2x400xi32, #tpu.memory_space<vmem>> -> memref<1x104xi32, #tpu.memory_space<vmem>>
        %dma_start3A_534 = tpu.memref_squeeze %dma_start3A_533 : memref<1x104xi32, #tpu.memory_space<vmem>> -> memref<104xi32, #tpu.memory_space<vmem>>
        %dma_start3A_535 = arith.constant 0 : i32
        %dma_start3A_536 = arith.constant 0 : i32
        %dma_start3A_537 = tpu.memref_slice %arg4[%dma_start3A_535, %dma_start3A_536] : memref<2000000x64xf32, #tpu.memory_space<hbm>> -> memref<2000000x64xf32, #tpu.memory_space<hbm>>
        tpu.enqueue_indirect_dma source(%dma_start3A_537 : memref<2000000x64xf32, #tpu.memory_space<hbm>>) target(%dma_start3A_531 : memref<104x64xf32, #tpu.memory_space<vmem>>) offsets(%dma_start3A_534 : memref<104xi32, #tpu.memory_space<vmem>>) semaphore(%arg11 : memref<!tpu.dma_semaphore, #tpu.memory_space<semaphore_mem>>)
        %dma_start3A_538 = arith.constant 0 : i32
        %dma_start3A_539 = arith.constant 0 : i32
        %dma_start3A_540 = arith.constant 1 : i32
        %dma_start3A_541 = arith.constant 0 : i32
        %dma_start3A_542 = arith.constant 0 : i32
        %dma_start3A_543 = tpu.memref_slice %arg9[%dma_start3A_539, %dma_start3A_540, %dma_start3A_541, %dma_start3A_542] : memref<2x2x200x64xf32, #tpu.memory_space<vmem>> -> memref<1x1x96x64xf32, #tpu.memory_space<vmem>>
        %dma_start3A_544 = tpu.memref_squeeze %dma_start3A_543 : memref<1x1x96x64xf32, #tpu.memory_space<vmem>> -> memref<96x64xf32, #tpu.memory_space<vmem>>
        %dma_start3A_545 = arith.constant 200 : i32
        %dma_start3A_546 = tpu.memref_slice %arg7[%dma_start3A_538, %dma_start3A_545] : memref<2x400xi32, #tpu.memory_space<vmem>> -> memref<1x96xi32, #tpu.memory_space<vmem>>
        %dma_start3A_547 = tpu.memref_squeeze %dma_start3A_546 : memref<1x96xi32, #tpu.memory_space<vmem>> -> memref<96xi32, #tpu.memory_space<vmem>>
        %dma_start3A_548 = arith.constant 0 : i32
        %dma_start3A_549 = arith.constant 0 : i32
        %dma_start3A_550 = tpu.memref_slice %arg4[%dma_start3A_548, %dma_start3A_549] : memref<2000000x64xf32, #tpu.memory_space<hbm>> -> memref<2000000x64xf32, #tpu.memory_space<hbm>>
        tpu.enqueue_indirect_dma source(%dma_start3A_550 : memref<2000000x64xf32, #tpu.memory_space<hbm>>) target(%dma_start3A_544 : memref<96x64xf32, #tpu.memory_space<vmem>>) offsets(%dma_start3A_547 : memref<96xi32, #tpu.memory_space<vmem>>) semaphore(%arg11 : memref<!tpu.dma_semaphore, #tpu.memory_space<semaphore_mem>>)
        %dma_start3A_551 = arith.constant 0 : i32
        %dma_start3A_552 = arith.constant 0 : i32
        %dma_start3A_553 = arith.constant 1 : i32
        %dma_start3A_554 = arith.constant 96 : i32
        %dma_start3A_555 = arith.constant 0 : i32
        %dma_start3A_556 = tpu.memref_slice %arg9[%dma_start3A_552, %dma_start3A_553, %dma_start3A_554, %dma_start3A_555] : memref<2x2x200x64xf32, #tpu.memory_space<vmem>> -> memref<1x1x104x64xf32, #tpu.memory_space<vmem>>
        %dma_start3A_557 = tpu.memref_squeeze %dma_start3A_556 : memref<1x1x104x64xf32, #tpu.memory_space<vmem>> -> memref<104x64xf32, #tpu.memory_space<vmem>>
        %dma_start3A_558 = arith.constant 296 : i32
        %dma_start3A_559 = tpu.memref_slice %arg7[%dma_start3A_551, %dma_start3A_558] : memref<2x400xi32, #tpu.memory_space<vmem>> -> memref<1x104xi32, #tpu.memory_space<vmem>>
        %dma_start3A_560 = tpu.memref_squeeze %dma_start3A_559 : memref<1x104xi32, #tpu.memory_space<vmem>> -> memref<104xi32, #tpu.memory_space<vmem>>
        %dma_start3A_561 = arith.constant 0 : i32
        %dma_start3A_562 = arith.constant 0 : i32
        %dma_start3A_563 = tpu.memref_slice %arg4[%dma_start3A_561, %dma_start3A_562] : memref<2000000x64xf32, #tpu.memory_space<hbm>> -> memref<2000000x64xf32, #tpu.memory_space<hbm>>
        tpu.enqueue_indirect_dma source(%dma_start3A_563 : memref<2000000x64xf32, #tpu.memory_space<hbm>>) target(%dma_start3A_557 : memref<104x64xf32, #tpu.memory_space<vmem>>) offsets(%dma_start3A_560 : memref<104xi32, #tpu.memory_space<vmem>>) semaphore(%arg11 : memref<!tpu.dma_semaphore, #tpu.memory_space<semaphore_mem>>)
      } else {
      }
      %add3A_349 = arith.constant 1 : i32
      %add3A_350 = arith.addi %mul3A_105, %add3A_349 : i32
      %dma_start3A_351 = arith.constant 1 : i32
      %dma_start3A_352 = arith.constant 1 : i32
      %dma_start3A_353 = arith.constant 0 : i32
      %dma_start3A_354 = arith.constant 0 : i32
      %dma_start3A_355 = arith.constant 0 : i32
      %dma_start3A_356 = tpu.memref_slice %arg9[%dma_start3A_352, %dma_start3A_353, %dma_start3A_354, %dma_start3A_355] : memref<2x2x200x64xf32, #tpu.memory_space<vmem>> -> memref<1x1x96x64xf32, #tpu.memory_space<vmem>>
      %dma_start3A_357 = tpu.memref_squeeze %dma_start3A_356 : memref<1x1x96x64xf32, #tpu.memory_space<vmem>> -> memref<96x64xf32, #tpu.memory_space<vmem>>
      %dma_start3A_358 = arith.constant 0 : i32
      %dma_start3A_359 = tpu.memref_slice %arg8[%dma_start3A_351, %dma_start3A_358] : memref<2x400xi32, #tpu.memory_space<vmem>> -> memref<1x96xi32, #tpu.memory_space<vmem>>
      %dma_start3A_360 = tpu.memref_squeeze %dma_start3A_359 : memref<1x96xi32, #tpu.memory_space<vmem>> -> memref<96xi32, #tpu.memory_space<vmem>>
      %dma_start3A_361 = arith.constant 0 : i32
      %dma_start3A_362 = arith.constant 0 : i32
      %dma_start3A_363 = tpu.memref_slice %arg10[%dma_start3A_361, %dma_start3A_362] : memref<400x64xf32, #tpu.memory_space<vmem_shared>> -> memref<400x64xf32, #tpu.memory_space<vmem_shared>>
      tpu.enqueue_indirect_dma source(%dma_start3A_363 : memref<400x64xf32, #tpu.memory_space<vmem_shared>>) target(%dma_start3A_357 : memref<96x64xf32, #tpu.memory_space<vmem>>) offsets(%dma_start3A_360 : memref<96xi32, #tpu.memory_space<vmem>>) semaphore(%arg12 : memref<!tpu.dma_semaphore, #tpu.memory_space<semaphore_mem>>) {add = true}
      %dma_start3A_364 = arith.constant 1 : i32
      %dma_start3A_365 = arith.constant 1 : i32
      %dma_start3A_366 = arith.constant 0 : i32
      %dma_start3A_367 = arith.constant 96 : i32
      %dma_start3A_368 = arith.constant 0 : i32
      %dma_start3A_369 = tpu.memref_slice %arg9[%dma_start3A_365, %dma_start3A_366, %dma_start3A_367, %dma_start3A_368] : memref<2x2x200x64xf32, #tpu.memory_space<vmem>> -> memref<1x1x104x64xf32, #tpu.memory_space<vmem>>
      %dma_start3A_370 = tpu.memref_squeeze %dma_start3A_369 : memref<1x1x104x64xf32, #tpu.memory_space<vmem>> -> memref<104x64xf32, #tpu.memory_space<vmem>>
      %dma_start3A_371 = arith.constant 96 : i32
      %dma_start3A_372 = tpu.memref_slice %arg8[%dma_start3A_364, %dma_start3A_371] : memref<2x400xi32, #tpu.memory_space<vmem>> -> memref<1x104xi32, #tpu.memory_space<vmem>>
      %dma_start3A_373 = tpu.memref_squeeze %dma_start3A_372 : memref<1x104xi32, #tpu.memory_space<vmem>> -> memref<104xi32, #tpu.memory_space<vmem>>
      %dma_start3A_374 = arith.constant 0 : i32
      %dma_start3A_375 = arith.constant 0 : i32
      %dma_start3A_376 = tpu.memref_slice %arg10[%dma_start3A_374, %dma_start3A_375] : memref<400x64xf32, #tpu.memory_space<vmem_shared>> -> memref<400x64xf32, #tpu.memory_space<vmem_shared>>
      tpu.enqueue_indirect_dma source(%dma_start3A_376 : memref<400x64xf32, #tpu.memory_space<vmem_shared>>) target(%dma_start3A_370 : memref<104x64xf32, #tpu.memory_space<vmem>>) offsets(%dma_start3A_373 : memref<104xi32, #tpu.memory_space<vmem>>) semaphore(%arg12 : memref<!tpu.dma_semaphore, #tpu.memory_space<semaphore_mem>>) {add = true}
      %dma_start3A_377 = arith.constant 1 : i32
      %dma_start3A_378 = arith.constant 1 : i32
      %dma_start3A_379 = arith.constant 1 : i32
      %dma_start3A_380 = arith.constant 0 : i32
      %dma_start3A_381 = arith.constant 0 : i32
      %dma_start3A_382 = tpu.memref_slice %arg9[%dma_start3A_378, %dma_start3A_379, %dma_start3A_380, %dma_start3A_381] : memref<2x2x200x64xf32, #tpu.memory_space<vmem>> -> memref<1x1x96x64xf32, #tpu.memory_space<vmem>>
      %dma_start3A_383 = tpu.memref_squeeze %dma_start3A_382 : memref<1x1x96x64xf32, #tpu.memory_space<vmem>> -> memref<96x64xf32, #tpu.memory_space<vmem>>
      %dma_start3A_384 = arith.constant 200 : i32
      %dma_start3A_385 = tpu.memref_slice %arg8[%dma_start3A_377, %dma_start3A_384] : memref<2x400xi32, #tpu.memory_space<vmem>> -> memref<1x96xi32, #tpu.memory_space<vmem>>
      %dma_start3A_386 = tpu.memref_squeeze %dma_start3A_385 : memref<1x96xi32, #tpu.memory_space<vmem>> -> memref<96xi32, #tpu.memory_space<vmem>>
      %dma_start3A_387 = arith.constant 0 : i32
      %dma_start3A_388 = arith.constant 0 : i32
      %dma_start3A_389 = tpu.memref_slice %arg10[%dma_start3A_387, %dma_start3A_388] : memref<400x64xf32, #tpu.memory_space<vmem_shared>> -> memref<400x64xf32, #tpu.memory_space<vmem_shared>>
      tpu.enqueue_indirect_dma source(%dma_start3A_389 : memref<400x64xf32, #tpu.memory_space<vmem_shared>>) target(%dma_start3A_383 : memref<96x64xf32, #tpu.memory_space<vmem>>) offsets(%dma_start3A_386 : memref<96xi32, #tpu.memory_space<vmem>>) semaphore(%arg12 : memref<!tpu.dma_semaphore, #tpu.memory_space<semaphore_mem>>) {add = true}
      %dma_start3A_390 = arith.constant 1 : i32
      %dma_start3A_391 = arith.constant 1 : i32
      %dma_start3A_392 = arith.constant 1 : i32
      %dma_start3A_393 = arith.constant 96 : i32
      %dma_start3A_394 = arith.constant 0 : i32
      %dma_start3A_395 = tpu.memref_slice %arg9[%dma_start3A_391, %dma_start3A_392, %dma_start3A_393, %dma_start3A_394] : memref<2x2x200x64xf32, #tpu.memory_space<vmem>> -> memref<1x1x104x64xf32, #tpu.memory_space<vmem>>
      %dma_start3A_396 = tpu.memref_squeeze %dma_start3A_395 : memref<1x1x104x64xf32, #tpu.memory_space<vmem>> -> memref<104x64xf32, #tpu.memory_space<vmem>>
      %dma_start3A_397 = arith.constant 296 : i32
      %dma_start3A_398 = tpu.memref_slice %arg8[%dma_start3A_390, %dma_start3A_397] : memref<2x400xi32, #tpu.memory_space<vmem>> -> memref<1x104xi32, #tpu.memory_space<vmem>>
      %dma_start3A_399 = tpu.memref_squeeze %dma_start3A_398 : memref<1x104xi32, #tpu.memory_space<vmem>> -> memref<104xi32, #tpu.memory_space<vmem>>
      %dma_start3A_400 = arith.constant 0 : i32
      %dma_start3A_401 = arith.constant 0 : i32
      %dma_start3A_402 = tpu.memref_slice %arg10[%dma_start3A_400, %dma_start3A_401] : memref<400x64xf32, #tpu.memory_space<vmem_shared>> -> memref<400x64xf32, #tpu.memory_space<vmem_shared>>
      tpu.enqueue_indirect_dma source(%dma_start3A_402 : memref<400x64xf32, #tpu.memory_space<vmem_shared>>) target(%dma_start3A_396 : memref<104x64xf32, #tpu.memory_space<vmem>>) offsets(%dma_start3A_399 : memref<104xi32, #tpu.memory_space<vmem>>) semaphore(%arg12 : memref<!tpu.dma_semaphore, #tpu.memory_space<semaphore_mem>>) {add = true}
      %dma_wait3A_403 = arith.constant 1 : i32
      %dma_wait3A_404 = arith.constant 1 : i32
      %dma_wait3A_405 = arith.constant 0 : i32
      %dma_wait3A_406 = arith.constant 0 : i32
      %dma_wait3A_407 = arith.constant 0 : i32
      %dma_wait3A_408 = tpu.memref_slice %arg9[%dma_wait3A_404, %dma_wait3A_405, %dma_wait3A_406, %dma_wait3A_407] : memref<2x2x200x64xf32, #tpu.memory_space<vmem>> -> memref<1x1x96x64xf32, #tpu.memory_space<vmem>>
      %dma_wait3A_409 = tpu.memref_squeeze %dma_wait3A_408 : memref<1x1x96x64xf32, #tpu.memory_space<vmem>> -> memref<96x64xf32, #tpu.memory_space<vmem>>
      %dma_wait3A_410 = arith.constant 0 : i32
      %dma_wait3A_411 = tpu.memref_slice %arg8[%dma_wait3A_403, %dma_wait3A_410] : memref<2x400xi32, #tpu.memory_space<vmem>> -> memref<1x96xi32, #tpu.memory_space<vmem>>
      %dma_wait3A_412 = tpu.memref_squeeze %dma_wait3A_411 : memref<1x96xi32, #tpu.memory_space<vmem>> -> memref<96xi32, #tpu.memory_space<vmem>>
      %dma_wait3A_413 = arith.constant 0 : i32
      %dma_wait3A_414 = arith.constant 0 : i32
      %dma_wait3A_415 = tpu.memref_slice %arg10[%dma_wait3A_413, %dma_wait3A_414] : memref<400x64xf32, #tpu.memory_space<vmem_shared>> -> memref<400x64xf32, #tpu.memory_space<vmem_shared>>
      tpu.wait_indirect_dma semaphore(%arg12 : memref<!tpu.dma_semaphore, #tpu.memory_space<semaphore_mem>>) src(%dma_wait3A_415 : memref<400x64xf32, #tpu.memory_space<vmem_shared>>) dst(%dma_wait3A_409 : memref<96x64xf32, #tpu.memory_space<vmem>>)
      %dma_wait3A_416 = arith.constant 1 : i32
      %dma_wait3A_417 = arith.constant 1 : i32
      %dma_wait3A_418 = arith.constant 0 : i32
      %dma_wait3A_419 = arith.constant 96 : i32
      %dma_wait3A_420 = arith.constant 0 : i32
      %dma_wait3A_421 = tpu.memref_slice %arg9[%dma_wait3A_417, %dma_wait3A_418, %dma_wait3A_419, %dma_wait3A_420] : memref<2x2x200x64xf32, #tpu.memory_space<vmem>> -> memref<1x1x104x64xf32, #tpu.memory_space<vmem>>
      %dma_wait3A_422 = tpu.memref_squeeze %dma_wait3A_421 : memref<1x1x104x64xf32, #tpu.memory_space<vmem>> -> memref<104x64xf32, #tpu.memory_space<vmem>>
      %dma_wait3A_423 = arith.constant 96 : i32
      %dma_wait3A_424 = tpu.memref_slice %arg8[%dma_wait3A_416, %dma_wait3A_423] : memref<2x400xi32, #tpu.memory_space<vmem>> -> memref<1x104xi32, #tpu.memory_space<vmem>>
      %dma_wait3A_425 = tpu.memref_squeeze %dma_wait3A_424 : memref<1x104xi32, #tpu.memory_space<vmem>> -> memref<104xi32, #tpu.memory_space<vmem>>
      %dma_wait3A_426 = arith.constant 0 : i32
      %dma_wait3A_427 = arith.constant 0 : i32
      %dma_wait3A_428 = tpu.memref_slice %arg10[%dma_wait3A_426, %dma_wait3A_427] : memref<400x64xf32, #tpu.memory_space<vmem_shared>> -> memref<400x64xf32, #tpu.memory_space<vmem_shared>>
      tpu.wait_indirect_dma semaphore(%arg12 : memref<!tpu.dma_semaphore, #tpu.memory_space<semaphore_mem>>) src(%dma_wait3A_428 : memref<400x64xf32, #tpu.memory_space<vmem_shared>>) dst(%dma_wait3A_422 : memref<104x64xf32, #tpu.memory_space<vmem>>)
      %dma_wait3A_429 = arith.constant 1 : i32
      %dma_wait3A_430 = arith.constant 1 : i32
      %dma_wait3A_431 = arith.constant 1 : i32
      %dma_wait3A_432 = arith.constant 0 : i32
      %dma_wait3A_433 = arith.constant 0 : i32
      %dma_wait3A_434 = tpu.memref_slice %arg9[%dma_wait3A_430, %dma_wait3A_431, %dma_wait3A_432, %dma_wait3A_433] : memref<2x2x200x64xf32, #tpu.memory_space<vmem>> -> memref<1x1x96x64xf32, #tpu.memory_space<vmem>>
      %dma_wait3A_435 = tpu.memref_squeeze %dma_wait3A_434 : memref<1x1x96x64xf32, #tpu.memory_space<vmem>> -> memref<96x64xf32, #tpu.memory_space<vmem>>
      %dma_wait3A_436 = arith.constant 200 : i32
      %dma_wait3A_437 = tpu.memref_slice %arg8[%dma_wait3A_429, %dma_wait3A_436] : memref<2x400xi32, #tpu.memory_space<vmem>> -> memref<1x96xi32, #tpu.memory_space<vmem>>
      %dma_wait3A_438 = tpu.memref_squeeze %dma_wait3A_437 : memref<1x96xi32, #tpu.memory_space<vmem>> -> memref<96xi32, #tpu.memory_space<vmem>>
      %dma_wait3A_439 = arith.constant 0 : i32
      %dma_wait3A_440 = arith.constant 0 : i32
      %dma_wait3A_441 = tpu.memref_slice %arg10[%dma_wait3A_439, %dma_wait3A_440] : memref<400x64xf32, #tpu.memory_space<vmem_shared>> -> memref<400x64xf32, #tpu.memory_space<vmem_shared>>
      tpu.wait_indirect_dma semaphore(%arg12 : memref<!tpu.dma_semaphore, #tpu.memory_space<semaphore_mem>>) src(%dma_wait3A_441 : memref<400x64xf32, #tpu.memory_space<vmem_shared>>) dst(%dma_wait3A_435 : memref<96x64xf32, #tpu.memory_space<vmem>>)
      %dma_wait3A_442 = arith.constant 1 : i32
      %dma_wait3A_443 = arith.constant 1 : i32
      %dma_wait3A_444 = arith.constant 1 : i32
      %dma_wait3A_445 = arith.constant 96 : i32
      %dma_wait3A_446 = arith.constant 0 : i32
      %dma_wait3A_447 = tpu.memref_slice %arg9[%dma_wait3A_443, %dma_wait3A_444, %dma_wait3A_445, %dma_wait3A_446] : memref<2x2x200x64xf32, #tpu.memory_space<vmem>> -> memref<1x1x104x64xf32, #tpu.memory_space<vmem>>
      %dma_wait3A_448 = tpu.memref_squeeze %dma_wait3A_447 : memref<1x1x104x64xf32, #tpu.memory_space<vmem>> -> memref<104x64xf32, #tpu.memory_space<vmem>>
      %dma_wait3A_449 = arith.constant 296 : i32
      %dma_wait3A_450 = tpu.memref_slice %arg8[%dma_wait3A_442, %dma_wait3A_449] : memref<2x400xi32, #tpu.memory_space<vmem>> -> memref<1x104xi32, #tpu.memory_space<vmem>>
      %dma_wait3A_451 = tpu.memref_squeeze %dma_wait3A_450 : memref<1x104xi32, #tpu.memory_space<vmem>> -> memref<104xi32, #tpu.memory_space<vmem>>
      %dma_wait3A_452 = arith.constant 0 : i32
      %dma_wait3A_453 = arith.constant 0 : i32
      %dma_wait3A_454 = tpu.memref_slice %arg10[%dma_wait3A_452, %dma_wait3A_453] : memref<400x64xf32, #tpu.memory_space<vmem_shared>> -> memref<400x64xf32, #tpu.memory_space<vmem_shared>>
      tpu.wait_indirect_dma semaphore(%arg12 : memref<!tpu.dma_semaphore, #tpu.memory_space<semaphore_mem>>) src(%dma_wait3A_454 : memref<400x64xf32, #tpu.memory_space<vmem_shared>>) dst(%dma_wait3A_448 : memref<104x64xf32, #tpu.memory_space<vmem>>)
      %mul3A_455 = arith.constant 128 : i32
      %mul3A_456 = arith.muli %add3A, %mul3A_455 : i32
      %mul3A_457 = arith.constant 2 : i32
      %mul3A_458 = arith.muli %add3A_350, %mul3A_457 : i32
      %add3A_459 = arith.addi %mul3A_456, %mul3A_458 : i32
      %dma_start3A_460 = arith.constant 1 : i32
      %dma_start3A_461 = arith.constant 0 : i32
      %dma_start3A_462 = arith.constant 0 : i32
      %dma_start3A_463 = arith.constant 0 : i32
      %dma_start3A_464 = tpu.memref_slice %arg9[%dma_start3A_460, %dma_start3A_461, %dma_start3A_462, %dma_start3A_463] : memref<2x2x200x64xf32, #tpu.memory_space<vmem>> -> memref<1x2x200x64xf32, #tpu.memory_space<vmem>>
      %dma_start3A_465 = tpu.memref_squeeze %dma_start3A_464 : memref<1x2x200x64xf32, #tpu.memory_space<vmem>> -> memref<2x200x64xf32, #tpu.memory_space<vmem>>
      %dma_start3A_466 = arith.constant 0 : i32
      %dma_start3A_467 = arith.constant 0 : i32
      %dma_start3A_468 = tpu.memref_slice %arg6[%add3A_459, %dma_start3A_466, %dma_start3A_467] : memref<4096x200x64xf32, #tpu.memory_space<hbm>> -> memref<2x200x64xf32, #tpu.memory_space<hbm>>
      %dma_start3A_469 = arith.constant 0 : i32
      %dma_start3A_470 = arith.constant 0 : i32
      %dma_start3A_471 = tpu.memref_slice %arg6[%add3A_459, %dma_start3A_469, %dma_start3A_470] : memref<4096x200x64xf32, #tpu.memory_space<hbm>> -> memref<2x200x64xf32, #tpu.memory_space<hbm>>
      %dma_start3A_472 = arith.constant 0 : i32
      %dma_start3A_473 = arith.constant 0 : i32
      %dma_start3A_474 = arith.constant 0 : i32
      %dma_start3A_475 = tpu.memref_slice %arg9[%dma_start3A_460, %dma_start3A_472, %dma_start3A_473, %dma_start3A_474] : memref<2x2x200x64xf32, #tpu.memory_space<vmem>> -> memref<1x2x200x64xf32, #tpu.memory_space<vmem>>
      %dma_start3A_476 = tpu.memref_squeeze %dma_start3A_475 : memref<1x2x200x64xf32, #tpu.memory_space<vmem>> -> memref<2x200x64xf32, #tpu.memory_space<vmem>>
      tpu.enqueue_dma source(%dma_start3A_476 : memref<2x200x64xf32, #tpu.memory_space<vmem>>) target(%dma_start3A_471 : memref<2x200x64xf32, #tpu.memory_space<hbm>>) target_semaphore(%arg14 : memref<!tpu.dma_semaphore, #tpu.memory_space<semaphore_mem>>)
      %add3A_477 = arith.constant 3 : i32
      %add3A_478 = arith.addi %mul3A_105, %add3A_477 : i32
      %lt3A_479 = arith.constant 64 : i32
      %lt3A_480 = arith.cmpi slt, %add3A_478, %lt3A_479 : i32
      %convert_element_type3A_481 = arith.extui %lt3A_480 : i1 to i32
      %cond3A_482 = arith.constant 0 : i32
      %cond3A_483 = arith.cmpi ne, %convert_element_type3A_481, %cond3A_482 : i32
      scf.if %cond3A_483 {
        %dma_wait3A_484 = arith.constant 1 : i32
        %dma_wait3A_485 = arith.constant 0 : i32
        %dma_wait3A_486 = arith.constant 0 : i32
        %dma_wait3A_487 = arith.constant 0 : i32
        %dma_wait3A_488 = tpu.memref_slice %arg9[%dma_wait3A_484, %dma_wait3A_485, %dma_wait3A_486, %dma_wait3A_487] : memref<2x2x200x64xf32, #tpu.memory_space<vmem>> -> memref<1x2x200x64xf32, #tpu.memory_space<vmem>>
        %dma_wait3A_489 = tpu.memref_squeeze %dma_wait3A_488 : memref<1x2x200x64xf32, #tpu.memory_space<vmem>> -> memref<2x200x64xf32, #tpu.memory_space<vmem>>
        %dma_wait3A_490 = arith.constant 0 : i32
        %dma_wait3A_491 = arith.constant 0 : i32
        %dma_wait3A_492 = arith.constant 0 : i32
        %dma_wait3A_493 = tpu.memref_slice %arg6[%dma_wait3A_490, %dma_wait3A_491, %dma_wait3A_492] : memref<4096x200x64xf32, #tpu.memory_space<hbm>> -> memref<2x200x64xf32, #tpu.memory_space<hbm>>
        %dma_wait3A_494 = arith.constant 0 : i32
        %dma_wait3A_495 = arith.constant 0 : i32
        %dma_wait3A_496 = arith.constant 0 : i32
        %dma_wait3A_497 = tpu.memref_slice %arg6[%dma_wait3A_494, %dma_wait3A_495, %dma_wait3A_496] : memref<4096x200x64xf32, #tpu.memory_space<hbm>> -> memref<2x200x64xf32, #tpu.memory_space<hbm>>
        %dma_wait3A_498 = arith.constant 0 : i32
        %dma_wait3A_499 = arith.constant 0 : i32
        %dma_wait3A_500 = arith.constant 0 : i32
        %dma_wait3A_501 = tpu.memref_slice %arg9[%dma_wait3A_484, %dma_wait3A_498, %dma_wait3A_499, %dma_wait3A_500] : memref<2x2x200x64xf32, #tpu.memory_space<vmem>> -> memref<1x2x200x64xf32, #tpu.memory_space<vmem>>
        %dma_wait3A_502 = tpu.memref_squeeze %dma_wait3A_501 : memref<1x2x200x64xf32, #tpu.memory_space<vmem>> -> memref<2x200x64xf32, #tpu.memory_space<vmem>>
        tpu.wait_dma2 semaphore(%arg14 : memref<!tpu.dma_semaphore, #tpu.memory_space<semaphore_mem>>) src(%dma_wait3A_502 : memref<2x200x64xf32, #tpu.memory_space<vmem>>) dst(%dma_wait3A_497 : memref<2x200x64xf32, #tpu.memory_space<hbm>>)
      } else {
      }
    }
    %scan3A_65 = arith.constant 32 : i32
    %dma_wait3A = arith.constant 0 : i32
    %dma_wait3A_66 = arith.constant 0 : i32
    %dma_wait3A_67 = arith.constant 0 : i32
    %dma_wait3A_68 = arith.constant 0 : i32
    %dma_wait3A_69 = tpu.memref_slice %arg9[%dma_wait3A, %dma_wait3A_66, %dma_wait3A_67, %dma_wait3A_68] : memref<2x2x200x64xf32, #tpu.memory_space<vmem>> -> memref<1x2x200x64xf32, #tpu.memory_space<vmem>>
    %dma_wait3A_70 = tpu.memref_squeeze %dma_wait3A_69 : memref<1x2x200x64xf32, #tpu.memory_space<vmem>> -> memref<2x200x64xf32, #tpu.memory_space<vmem>>
    %dma_wait3A_71 = arith.constant 0 : i32
    %dma_wait3A_72 = arith.constant 0 : i32
    %dma_wait3A_73 = arith.constant 0 : i32
    %dma_wait3A_74 = tpu.memref_slice %arg6[%dma_wait3A_71, %dma_wait3A_72, %dma_wait3A_73] : memref<4096x200x64xf32, #tpu.memory_space<hbm>> -> memref<2x200x64xf32, #tpu.memory_space<hbm>>
    %dma_wait3A_75 = arith.constant 0 : i32
    %dma_wait3A_76 = arith.constant 0 : i32
    %dma_wait3A_77 = arith.constant 0 : i32
    %dma_wait3A_78 = tpu.memref_slice %arg6[%dma_wait3A_75, %dma_wait3A_76, %dma_wait3A_77] : memref<4096x200x64xf32, #tpu.memory_space<hbm>> -> memref<2x200x64xf32, #tpu.memory_space<hbm>>
    %dma_wait3A_79 = arith.constant 0 : i32
    %dma_wait3A_80 = arith.constant 0 : i32
    %dma_wait3A_81 = arith.constant 0 : i32
    %dma_wait3A_82 = tpu.memref_slice %arg9[%dma_wait3A, %dma_wait3A_79, %dma_wait3A_80, %dma_wait3A_81] : memref<2x2x200x64xf32, #tpu.memory_space<vmem>> -> memref<1x2x200x64xf32, #tpu.memory_space<vmem>>
    %dma_wait3A_83 = tpu.memref_squeeze %dma_wait3A_82 : memref<1x2x200x64xf32, #tpu.memory_space<vmem>> -> memref<2x200x64xf32, #tpu.memory_space<vmem>>
    tpu.wait_dma2 semaphore(%arg13 : memref<!tpu.dma_semaphore, #tpu.memory_space<semaphore_mem>>) src(%dma_wait3A_83 : memref<2x200x64xf32, #tpu.memory_space<vmem>>) dst(%dma_wait3A_78 : memref<2x200x64xf32, #tpu.memory_space<hbm>>)
    %dma_wait3A_84 = arith.constant 1 : i32
    %dma_wait3A_85 = arith.constant 0 : i32
    %dma_wait3A_86 = arith.constant 0 : i32
    %dma_wait3A_87 = arith.constant 0 : i32
    %dma_wait3A_88 = tpu.memref_slice %arg9[%dma_wait3A_84, %dma_wait3A_85, %dma_wait3A_86, %dma_wait3A_87] : memref<2x2x200x64xf32, #tpu.memory_space<vmem>> -> memref<1x2x200x64xf32, #tpu.memory_space<vmem>>
    %dma_wait3A_89 = tpu.memref_squeeze %dma_wait3A_88 : memref<1x2x200x64xf32, #tpu.memory_space<vmem>> -> memref<2x200x64xf32, #tpu.memory_space<vmem>>
    %dma_wait3A_90 = arith.constant 0 : i32
    %dma_wait3A_91 = arith.constant 0 : i32
    %dma_wait3A_92 = arith.constant 0 : i32
    %dma_wait3A_93 = tpu.memref_slice %arg6[%dma_wait3A_90, %dma_wait3A_91, %dma_wait3A_92] : memref<4096x200x64xf32, #tpu.memory_space<hbm>> -> memref<2x200x64xf32, #tpu.memory_space<hbm>>
    %dma_wait3A_94 = arith.constant 0 : i32
    %dma_wait3A_95 = arith.constant 0 : i32
    %dma_wait3A_96 = arith.constant 0 : i32
    %dma_wait3A_97 = tpu.memref_slice %arg6[%dma_wait3A_94, %dma_wait3A_95, %dma_wait3A_96] : memref<4096x200x64xf32, #tpu.memory_space<hbm>> -> memref<2x200x64xf32, #tpu.memory_space<hbm>>
    %dma_wait3A_98 = arith.constant 0 : i32
    %dma_wait3A_99 = arith.constant 0 : i32
    %dma_wait3A_100 = arith.constant 0 : i32
    %dma_wait3A_101 = tpu.memref_slice %arg9[%dma_wait3A_84, %dma_wait3A_98, %dma_wait3A_99, %dma_wait3A_100] : memref<2x2x200x64xf32, #tpu.memory_space<vmem>> -> memref<1x2x200x64xf32, #tpu.memory_space<vmem>>
    %dma_wait3A_102 = tpu.memref_squeeze %dma_wait3A_101 : memref<1x2x200x64xf32, #tpu.memory_space<vmem>> -> memref<2x200x64xf32, #tpu.memory_space<vmem>>
    tpu.wait_dma2 semaphore(%arg14 : memref<!tpu.dma_semaphore, #tpu.memory_space<semaphore_mem>>) src(%dma_wait3A_102 : memref<2x200x64xf32, #tpu.memory_space<vmem>>) dst(%dma_wait3A_97 : memref<2x200x64xf32, #tpu.memory_space<hbm>>)
    return
  }
}

</mosaic_0001>

<sc_bundles>
// kernel: kernel.3.cloned.1.call-start
scs
__scs_entry_jumppad:
0x0: {  	(pc) =	sbr.rel $0x88, $3  }
0x1: {  	(tag) =	ssettag $0x0;
	lr =	simm.s32 $0x1  }
0x2: {  	[smem:$0x3F9C] =	sst lr;
	_ =	strace $0xD0000000  }
0x3: {  	_ = 	snop  }
0x4: {  	_ = 	snop  }
0x5: {  	_ = 	snop  }
0x6: {  	_ = 	snop  }
0x7: {  	_ = 	snop  }
__scs_overlays_trampoline_lowered:
0x8: {  	[smem:$0x3FAB] =	sst s0  }
0x9: {  	[smem:$0x3FAC] =	sst s1  }
0xa: {  	[smem:$0x3FAD] =	sst s2  }
0xb: {  	[smem:$0x3FAE] =	sst s3  }
0xc: {  	[smem:$0x3FAF] =	sst s4  }
0xd: {  	[smem:$0x3FB0] =	sst s5  }
0xe: {  	[smem:$0x3FB1] =	sst s6  }
0xf: {  	[smem:$0x3FB2] =	sst s7  }
0x10: {  	[smem:$0x3FB3] =	sst s8  }
0x11: {  	[smem:$0x3FB4] =	sst s9;
	s0 =	simm.s32 @!p0 $0x0  }
0x12: {  	s1 =	sld [smem:$0x3F9A];
	s0 =	simm.s32 @p0 $0x1  }
0x13: {  	[smem:$0x3FB5] =	sst s0;
	s0 =	simm.s32 @!p1 $0x0  }
0x14: {  	s2 =	sld [smem:$0x3F99];
	s0 =	simm.s32 @p1 $0x1  }
0x15: {  	[smem:$0x3FB6] =	sst s0;
	s0 =	simm.s32 @!p2 $0x0  }
0x16: {  	s3 =	sld [smem:$0x3FDB];
	s0 =	simm.s32 @p2 $0x1  }
0x17: {  	s4 =	simm.s32 $0x1BF5;
	[smem:$0x3FB8] =	sst s0  }
0x18: {  	s0 =	sld [smem:$0x3F9B];
	_ =	swait.ge [sflag:s4], $0x0  }
0x19: {  	s7 =	sld [smem:$0x3F9C]  }
0x1a: {  	s8 =	sadd.s32 $0xFFFFE003, lr  }
0x1b: {  	s9 =	sadd.s32 $0xFFFFFEF7, lr;
	s5 =	simm.s32 $0xFFFFFFFF;
	p2 =	slt.u32 s8, $0xFFFFF086  }
0x1c: {  	p1 =	slt.u32 s9, $0xF7A;
	s5 =	simm.s32 @!p2 $0x0  }
0x1d: {  	s5 =	simm.s32 @p1 $0x1;
	p0 =	seq.s32 s7, s2  }
0x1e: {  	s7 =	smul.u32 @!p0 $0xF7A, s2;
	p2 =	seq.s32 @!p0 s5, $0x0  }
0x1f: {  	s9 =	smul.u32 $0xF7A, s1;
	s8 =	simm.s32 @!p0 $0x1BF5;
	p2 =	por !p2, p0  }
0x20: {  	[sflag:s8] =	ssyncset.s32 @!p0 $0xFFFFF086;
	s6 =	sadd.s32 @!p0 s3, s7;
	s7 =	simm.s32 @!p0 $0x108  }
0x21: {  	s3 =	sadd.s32 s3, s9;
	s6 =	sadd.s32 @!p0 $0x88, s6;
	s7 =	simm.s32 @p2 $0x1082  }
0x22: {  	[simem:s7], [sflag:s8] =	dma.local @!p0 [hbm:s6], $0xF7A  }
0x23: {  	s9 =	sor.u32 $0xD0000000, s2;
	s6 =	simm.s32 $0x108;
	_ =	swait.ge @!p0 [sflag:s8], $0x0  }
0x24: {  	s3 =	sadd.s32 $0x88, s3;
	s6 =	simm.s32 @!p1 $0x1082;
	[sflag:s4] =	ssyncset.s32 $0xFFFFF086  }
0x25: {  	[simem:s6], [sflag:s4] =	dma.local [hbm:s3], $0xF7A  }
0x26: {  	[smem:$0x3F9C] =	sst s1;
	(tag) =	ssettag s2;
	_ =	strace s9  }
0x27: {  	s1 =	sld [smem:$0x3FAC]  }
0x28: {  	s2 =	sld [smem:$0x3FAD]  }
0x29: {  	s4 =	sld [smem:$0x3FAF]  }
0x2a: {  	p0 =	seq.s32 s5, $0x0;
	s5 =	sld [smem:$0x3FB0]  }
0x2b: {  	s6 =	sld [smem:$0x3FB1]  }
0x2c: {  	s7 =	sld [smem:$0x3FB2]  }
0x2d: {  	s3 =	simm.s32 $0x108;
	s8 =	sld [smem:$0x3FB3]  }
0x2e: {  	s3 =	simm.s32 @!p0 $0x1082;
	s9 =	sld [smem:$0x3FB4]  }
0x2f: {  	lr =	sadd.s32 s0, s3;
	s0 =	sld [smem:$0x3FAB]  }
0x30: {  	s3 =	sld [smem:$0x3FAE]  }
0x31: {  	[smem:$0x3FB7] =	sst s10  }
0x32: {  	s10 =	sld [smem:$0x3FB5];
	_ =	sdelay $0x3  }
0x33: {  	p0 =	seq.s32 s10, $0x1;
	s10 =	sld [smem:$0x3FB7];
	_ =	sdelay $0x3  }
0x34: {  	[smem:$0x3FB7] =	sst s10  }
0x35: {  	s10 =	sld [smem:$0x3FB6];
	_ =	sdelay $0x3  }
0x36: {  	p1 =	seq.s32 s10, $0x1;
	s10 =	sld [smem:$0x3FB7];
	_ =	sdelay $0x3  }
0x37: {  	[smem:$0x3FB7] =	sst s10  }
0x38: {  	s10 =	sld [smem:$0x3FB8]  }
0x39: {  	_ = 	snop;
	(pc) =	sbr.ind lr, $3  }
0x3a: {  	_ = 	snop  }
0x3b: {  	_ = 	snop  }
0x3c: {  	p2 =	seq.s32 s10, $0x1;
	s10 =	sld [smem:$0x3FB7]  }
0x3d: {  	_ =	shalt  }
0x3e: {  	_ =	shalt  }
0x3f: {  	_ =	shalt  }
0x40: {  	_ =	shalt  }
0x41: {  	_ =	shalt  }
0x42: {  	_ =	shalt  }
0x43: {  	_ =	shalt  }
0x44: {  	_ =	shalt  }
0x45: {  	_ =	shalt  }
0x46: {  	_ =	shalt  }
0x47: {  	_ =	shalt  }
0x48: {  	_ =	shalt  }
0x49: {  	_ =	shalt  }
0x4a: {  	_ =	shalt  }
0x4b: {  	_ =	shalt  }
0x4c: {  	_ =	shalt  }
0x4d: {  	_ =	shalt  }
0x4e: {  	_ =	shalt  }
0x4f: {  	_ =	shalt  }
0x50: {  	_ =	shalt  }
0x51: {  	_ =	shalt  }
0x52: {  	_ =	shalt  }
0x53: {  	_ =	shalt  }
0x54: {  	_ =	shalt  }
0x55: {  	_ =	shalt  }
0x56: {  	_ =	shalt  }
0x57: {  	_ =	shalt  }
0x58: {  	_ =	shalt  }
0x59: {  	_ =	shalt  }
0x5a: {  	_ =	shalt  }
0x5b: {  	_ =	shalt  }
0x5c: {  	_ =	shalt  }
0x5d: {  	_ =	shalt  }
0x5e: {  	_ =	shalt  }
0x5f: {  	_ =	shalt  }
0x60: {  	_ =	shalt  }
0x61: {  	_ =	shalt  }
0x62: {  	_ =	shalt  }
0x63: {  	_ =	shalt  }
0x64: {  	_ =	shalt  }
0x65: {  	_ =	shalt  }
0x66: {  	_ =	shalt  }
0x67: {  	_ =	shalt  }
0x68: {  	_ =	shalt  }
0x69: {  	_ =	shalt  }
0x6a: {  	_ =	shalt  }
0x6b: {  	_ =	shalt  }
0x6c: {  	_ =	shalt  }
0x6d: {  	_ =	shalt  }
0x6e: {  	_ =	shalt  }
0x6f: {  	_ =	shalt  }
0x70: {  	_ =	shalt  }
0x71: {  	_ =	shalt  }
0x72: {  	_ =	shalt  }
0x73: {  	_ =	shalt  }
0x74: {  	_ =	shalt  }
0x75: {  	_ =	shalt  }
0x76: {  	_ =	shalt  }
0x77: {  	_ =	shalt  }
0x78: {  	_ =	shalt  }
0x79: {  	_ =	shalt  }
0x7a: {  	_ =	shalt  }
0x7b: {  	_ =	shalt  }
0x7c: {  	_ =	shalt  }
0x7d: {  	_ =	shalt  }
0x7e: {  	_ =	shalt  }
0x7f: {  	_ =	shalt  }
0x80: {  	_ =	shalt  }
0x81: {  	_ =	shalt  }
0x82: {  	_ =	shalt  }
0x83: {  	_ =	shalt  }
0x84: {  	_ =	shalt  }
0x85: {  	_ =	shalt  }
0x86: {  	_ =	shalt  }
0x87: {  	_ =	shalt  }
.Lfunc_end0:
.L_simem_size_0:
called_computation.2_lowered:
.L_overlay_start_0:
0x88: {  	s2 =	sld [smem:$0x3FD9]  }
0x89: {  	s3 =	sld [smem:$0x3FFE];
	_ =	sdelay $0x1  }
0x8a: {  	s1 =	srdreg.scid  }
0x8b: {  	s0 =	sand.u32 $0x1, s1  }
0x8c: {  	s17 =	sshll.u32 s0, $0xA;
	s2 =	sadd.s32 s3, s2  }
0x8d: {  	s2 =	sadd.s32 s2, s17  }
0x8e: {  	[smem:$0x3FC3] =	sst s2  }
0x8f: {  	_ = 	snop  }
0x90: {  	s2 =	sld [smem:$0x3FD0];
	(tm) =	ssettm $0x1  }
0x91: {  	s18 =	sld [smem:$0x3FFB];
	_ =	sdelay $0x3  }
0x92: {  	_ =	strace s18  }
0x93: {  	s3 =	sld [smem:$0x3FFC];
	_ =	sdelay $0x3  }
0x94: {  	_ =	strace s3  }
0x95: {  	s3 =	sld [smem:$0x3FFD];
	_ =	sdelay $0x3  }
0x96: {  	_ =	strace s3  }
0x97: {  	_ =	strace $0x8FFFFFFF  }
0x98: {  	s19 =	sld [smem:$0x3FDB];
	_ =	sdelay $0x1  }
0x99: {  	s4 =	simm.s32 $_scs_section_size  }
0x9a: {  	s5 =	simm.s32 $_size__tile_overlayer_lowered;
	s6 =	simm.s32 $_tile_overlayer_lowered  }
0x9b: {  	s22 =	simm.s32 $0x1BFF;
	s21 =	sshll.u32 s6, $0x1;
	s3 =	sadd.s32 s4, s19  }
0x9c: {  	s7 =	simm.s32 $0x0;
	s20 =	sshll.u32 s5, $0x1;
	s5 =	sadd.s32 s21, s3  }
0x9d: {  	[timem:s7], [sflag:s22] =	dma.local [hbm:s5], s20  }
0x9e: {  	_ =	swait.ge [sflag:s22], s20  }
0x9f: {  	s4 =	ssub.s32 $0x0, s20;
	[sflag:s22] =	ssyncset.done $0x0  }
0xa0: {  	[sflag:s22] =	ssyncadd.s32 s4;
	_ =	sdelay $0x1  }
0xa1: {  	s23 =	simm.s32 $0x1B8B  }
0xa2: {  	_ =	swait.ge [sflag:s23], $0x1  }
0xa3: {  	[sflag:s23] =	ssyncset.done $0x0  }
0xa4: {  	s25 =	simm.s32 $0x1B8E;
	s24 =	sld [smem:$0x3FFE];
	[sflag:s23] =	ssyncadd.s32 $0xFFFFFFFF  }
0xa5: {  	s26 =	simm.s32 $execute0_lowered;
	[smem:$0x3FD2] =	sst s25  }
0xa6: {  	s5 =	sshll.u32 s26, $0x1;
	_ =	strace $0x80000049;
	[dreg:$0x1] =	wrdreg $0xFFFFFFFF  }
0xa7: {  	s28 =	simm.s32 $_size_execute0_lowered;
	s3 =	sadd.s32 s3, s5;
	[dreg:$0x0] =	wrdreg $0x0  }
0xa8: {  	s5 =	sshll.u32 s28, $0x1;
	[dreg:$0x2] =	wrdreg s3  }
0xa9: {  	[dreg:$0x3] =	wrdreg s5  }
0xaa: {  	[dreg:$0x4] =	wrdreg $0xC0  }
0xab: {  	_ =	task [dreg:s7], $0x5FFFF  }
0xac: {  	[dreg:$0x1] =	wrdreg $0xFFFFFFFF  }
0xad: {  	[dreg:$0x0] =	wrdreg $0x60  }
0xae: {  	[dreg:$0x2] =	wrdreg s24  }
0xaf: {  	[dreg:$0x3] =	wrdreg s2  }
0xb0: {  	[dreg:$0x4] =	wrdreg $0xCE400  }
0xb1: {  	[dreg:$0x5] =	wrdreg $0x9  }
0xb2: {  	_ =	task.clear_ibuf [dreg:s7], $0x6FFFF;
	_ =	strace $0x90000049  }
0xb3: {  	s29 =	simm.s32 $0x9;
	_ =	strace $0x8000004B  }
0xb4: {  	_ =	swait.ge [sflag:s29], $0x1  }
0xb5: {  	[sflag:s29] =	ssyncadd.s32 $0xFFFFFFFF  }
0xb6: {  	_ =	strace $0x9000004B  }
0xb7: {  	_ =	sfence  }
0xb8: {  	s30 =	sld [smem:$0x0];
	_ =	sdelay $0x2  }
0xb9: {  	s31 =	sshll.u32 s1, $0xD;
	s1 =	sshrl.u32 s1, $0x2  }
0xba: {  	s3 =	sand.u32 $0x4000, s31;
	s1 =	sadd.s32 s1, s30  }
0xbb: {  	s0 =	sor.u32 s3, s0;
	s1 =	sshll.u32 s1, $0x11  }
0xbc: {  	s0 =	sor.u32 s1, s0  }
0xbd: {  	s0 =	sadd.s32 $0x8F2B, s0  }
0xbe: {  	[sflag:s0] =	ssyncadd.remote.s32 $0x1  }
0xbf: {  	_ =	sfence.sel $0xFFFF  }
0xc0: {  	[dreg:$0x0] =	wrdreg $0xFFFFFFFF;
	(pc) =	sbr.abs _section_cstart, $3  }
0xc1: {  	[dreg:$0x1] =	wrdreg $0xFFFFFFFF  }
0xc2: {  	_ =	task.clear_ibuf [dreg:s7], $0x2FFFF;
	_ =	strace $0x9FFFFFFF  }
0xc3: {  	(tm) =	ssettm $0x7FFFFFFF  }
tec
execute0_lowered:
.L_overlay_start_1:
0x0: {  	(tag) =	ssettag $0x1  }
0x1: {  	s0 =	rddreg [dreg:$0x0]  }
0x2: {  	s4 =	rddreg [dreg:$0x1]  }
0x3: {  	s1 =	rddreg [dreg:$0x2];
	s2 =	simm.s32 $0x0;
	s3 =	srdreg.scid  }
0x4: {  	s5 =	stileid.u32;
	s12 =	simm.s32 $0x5;
	s14 =	simm.s32 $0x60  }
0x5: {  	s15 =	simm.s32 $0x640;
	s16 =	simm.s32 $0x68;
	s28 =	simm.s32 $0x8240  }
0x6: {  	s30 =	simm.s32 $0x9C40;
	s31 =	simm.s32 $0x2B8;
	s18 =	simm.s32 $0x380  }
0x7: {  	s17 =	simm.s32 $0x0;
	[smem:$0x7FF] =	sst s2;
	s7 =	sadd.s32 $0xF5CA00, s0  }
0x8: {  	s6 =	sand.u32 $0x1, s3;
	s8 =	sadd.s32 $0xF43A00, s0;
	s3 =	sadd.s32 $0xF76800, s0  }
0x9: {  	s19 =	sshll.u32 s5, $0x1;
	s0 =	sadd.s32 $0xF75A00, s0;
	s11 =	smul.u32 $0x64000, s5  }
0xa: {  	s23 =	smul.u32 $0x1900, s5;
	p0 =	sne.s32 s5, $0x0;
	s5 =	simm.s32 $0x2  }
0xb: {  	_ =	strace $0x8000004A;
	s9 =	sor.u32 s6, s19;
	s22 =	smul.u32 $0x32000, s6  }
0xc: {  	s10 =	ssub.s32 $0x2, s6;
	[dreg:$0x4] =	wrdreg s0;
	s25 =	smul.u32 $0xC80, s6  }
0xd: {  	s6 =	simm.s32 $0x510;
	s9 =	smul.u32 $0xC80, s9;
	s20 =	sshrl.u32 s10, $0x1  }
0xe: {  	s4 =	sadd.s32 s11, s4;
	s26 =	sadd.s32 s23, s7;
	s29 =	sadd.s32 s23, s8  }
0xf: {  	s23 =	simm.s32 $0x190;
	s11 =	simm.s32 $0x4;
	s0 =	ssub.s32 s10, s20  }
0x10: {  	s24 =	sadd.s32 s22, s4;
	s10 =	sadd.s32 s25, s29;
	s22 =	simm.s32 $0x1  }
0x11: {  	s20 =	simm.s32 $0x3E8;
	s4 =	simm.s32 $0x448;
	s21 =	sadd.s32 s7, s9  }
.Ltmp0:
0x12: {  	s9 =	sadd.s32 s8, s9;
	[dreg:$0x8] =	wrdreg s24;
	(pc) =	sbr.rel .LBB2_1-.Ltmp0, $4  }
0x13: {  	s0 =	smax.u32 s0, $0x1;
	s24 =	simm.s32 $0x4B0;
	[dreg:$0x5] =	wrdreg s21  }
0x14: {  	s7 =	simm.s32 $0x578;
	s8 =	simm.s32 $0x5D8;
	[dreg:$0x6] =	wrdreg s9  }
0x15: {  	[dreg:$0x7] =	wrdreg s0;
	s9 =	sadd.s32 s25, s26;
	s0 =	sshrl.u32 @!p0 s1, $0x3  }
0x16: {  	s25 =	simm.s32 $0x6A40;
	[dreg:$0x9] =	wrdreg s0;
	s0 =	simm.s32 $0xB440  }
.LBB2_4:
0x17: {  	s13 =	simm.s32 $0x3  }
0x18: {  	_ =	swait.ge [sflag:s13], $0x6400  }
0x19: {  	[sflag:s13] =	ssyncset.done $0x0  }
0x1a: {  	[sflag:s13] =	ssyncadd.s32 $0xFFFF9C00  }
0x1b: {  	_ =	swait.ge [sflag:s11], $0x6400  }
0x1c: {  	s17 =	rddreg [dreg:$0xa]  }
0x1d: {  	s29 =	rddreg [dreg:$0x7];
	s17 =	sadd.s32 $0x1, s17  }
0x1e: {  	p1 =	sne.s32 s17, s29  }
.Ltmp1:
0x1f: {  	_ = 	snop;
	(pc) =	sbr.rel @!p1 .LBB2_5-.Ltmp1, $3  }
0x20: {  	_ =	sdelay $0x1  }
0x21: {  	[sflag:s11] =	ssyncset.done $0x0  }
0x22: {  	[sflag:s11] =	ssyncadd.s32 $0xFFFF9C00  }
.LBB2_1:
0x23: {  	[dreg:$0xa] =	wrdreg s17  }
0x24: {  	s17 =	rddreg [dreg:$0x4]  }
0x25: {  	s13 =	simm.s32 @!p0 $0x1C05;
	s19 =	rddreg [dreg:$0x9]  }
0x26: {  	[spmem:s19], [sflag:s13] =	dma.local @!p0 [hbm:s17], $0xC80  }
0x27: {  	s13 =	simm.s32 @!p0 $0x5  }
0x28: {  	_ =	swait.ge @!p0 [sflag:s13], $0xC80  }
0x29: {  	[sflag:s13] =	ssyncset.done @!p0 $0x0  }
0x2a: {  	[sflag:s13] =	ssyncadd.s32 @!p0 $0xFFFFF380  }
0x2b: {  	[bflag:$0x0] =	sbarrier.arrive $0xFFFF  }
0x2c: {  	s21 =	rddreg [dreg:$0x5]  }
0x2d: {  	[tilespmem:s2], [sflag:$0x5] =	stream.linear.gather [hbm4b:s21+s2], $0x190, $0x38;
	[tilespmem:$0xD480] =	vst v63  }
0x2e: {  	_ =	swait.ge [sflag:s12], $0x190  }
0x2f: {  	[sflag:s12] =	ssyncset.done $0x0  }
0x30: {  	s29 =	simm.s32 $0x320;
	s26 =	rddreg [dreg:$0x6];
	[sflag:s12] =	ssyncadd.s32 $0xFFFFFE70  }
0x31: {  	[tilespmem:s29], [sflag:$0x5] =	stream.linear.gather [hbm4b:s26+s2], $0x190, $0x38;
	[tilespmem:$0xD480] =	vst v63  }
0x32: {  	_ =	swait.ge [sflag:s12], $0x190  }
0x33: {  	[sflag:s12] =	ssyncset.done $0x0  }
0x34: {  	[sflag:s12] =	ssyncadd.s32 $0xFFFFFE70  }
0x35: {  	[tilespmem:s15], [sflag:$0x1] =	stream.indirect.gather [hbm4b:s3+s14], $0x40, s2, s14, $0xb8;
	[tilespmem:$0xD480] =	vst v63  }
0x36: {  	s17 =	simm.s32 $0x1E40  }
0x37: {  	[tilespmem:s17], [sflag:$0x1] =	stream.indirect.gather [hbm4b:s3+s16], $0x40, s14, s16, $0xb8;
	[tilespmem:$0xD480] =	vst v63  }
0x38: {  	s19 =	simm.s32 $0xC8;
	s13 =	simm.s32 $0x0;
	s21 =	simm.s32 $0x3840  }
0x39: {  	[tilespmem:s21], [sflag:$0x1] =	stream.indirect.gather [hbm4b:s3+s14], $0x40, s19, s14, $0xb8;
	[tilespmem:$0xD480] =	vst v63  }
0x3a: {  	s26 =	simm.s32 $0x128;
	s29 =	simm.s32 $0x5040;
	s17 =	rddreg [dreg:$0x8]  }
0x3b: {  	[tilespmem:s29], [sflag:$0x1] =	stream.indirect.gather [hbm4b:s3+s16], $0x40, s26, s16, $0xb8;
	[tilespmem:$0xD480] =	vst v63  }
.LBB2_2:
0x3c: {  	_ =	swait.ge [sflag:s22], $0x1800  }
0x3d: {  	[sflag:s22] =	ssyncset.done $0x0  }
0x3e: {  	[sflag:s22] =	ssyncadd.s32 $0xFFFFE800  }
0x3f: {  	_ =	swait.ge [sflag:s22], $0x1A00  }
0x40: {  	[sflag:s22] =	ssyncset.done $0x0  }
0x41: {  	[sflag:s22] =	ssyncadd.s32 $0xFFFFE600  }
0x42: {  	_ =	swait.ge [sflag:s22], $0x1800  }
0x43: {  	[sflag:s22] =	ssyncset.done $0x0  }
0x44: {  	[sflag:s22] =	ssyncadd.s32 $0xFFFFE800  }
0x45: {  	_ =	swait.ge [sflag:s22], $0x1A00  }
0x46: {  	s19 =	sadd.s32 s13, s9;
	[sflag:s22] =	ssyncset.done $0x0  }
0x47: {  	s19 =	sadd.s32 $0x32, s19;
	[sflag:s22] =	ssyncadd.s32 $0xFFFFE600  }
0x48: {  	[tilespmem:s23], [sflag:$0x5] =	stream.linear.gather [hbm4b:s19+s2], $0x190, $0x38;
	[tilespmem:$0xD480] =	vst v63  }
0x49: {  	_ =	swait.ge [sflag:s12], $0x190  }
0x4a: {  	s26 =	sadd.s32 s13, s10;
	[sflag:s12] =	ssyncset.done $0x0  }
0x4b: {  	s19 =	sadd.s32 $0x32, s26;
	[sflag:s12] =	ssyncadd.s32 $0xFFFFFE70  }
0x4c: {  	[tilespmem:s24], [sflag:$0x5] =	stream.linear.gather [hbm4b:s19+s2], $0x190, $0x38;
	[tilespmem:$0xD480] =	vst v63  }
0x4d: {  	_ =	swait.ge [sflag:s12], $0x190  }
0x4e: {  	[sflag:s12] =	ssyncset.done $0x0  }
0x4f: {  	[sflag:s12] =	ssyncadd.s32 $0xFFFFFE70  }
0x50: {  	[tilespmem:s25], [sflag:$0x2] =	stream.indirect.gather [hbm4b:s3+s14], $0x40, s23, s14, $0xb8;
	[tilespmem:$0xD480] =	vst v63  }
0x51: {  	s29 =	simm.s32 $0x1F0  }
0x52: {  	[tilespmem:s28], [sflag:$0x2] =	stream.indirect.gather [hbm4b:s3+s16], $0x40, s29, s16, $0xb8;
	[tilespmem:$0xD480] =	vst v63  }
0x53: {  	s21 =	simm.s32 $0x258  }
0x54: {  	[tilespmem:s30], [sflag:$0x2] =	stream.indirect.gather [hbm4b:s3+s14], $0x40, s21, s14, $0xb8;
	[tilespmem:$0xD480] =	vst v63  }
0x55: {  	_ = 	snop  }
0x56: {  	[tilespmem:s0], [sflag:$0x2] =	stream.indirect.gather [hbm4b:s3+s16], $0x40, s31, s16, $0xb8;
	[tilespmem:$0xD480] =	vst v63  }
0x57: {  	s26 =	simm.s32 $0x320  }
0x58: {  	[tilespmem:s15], [sflag:$0x1] =	stream.indirect.gather.add.f32 [spmem:s1], $0x40, s26, s14, $0xb8;
	[tilespmem:$0xD480] =	vst v63  }
0x59: {  	s29 =	simm.s32 $0x1E40  }
0x5a: {  	[tilespmem:s29], [sflag:$0x1] =	stream.indirect.gather.add.f32 [spmem:s1], $0x40, s18, s16, $0xb8;
	[tilespmem:$0xD480] =	vst v63  }
0x5b: {  	s21 =	simm.s32 $0x3840  }
0x5c: {  	[tilespmem:s21], [sflag:$0x1] =	stream.indirect.gather.add.f32 [spmem:s1], $0x40, s20, s14, $0xb8;
	[tilespmem:$0xD480] =	vst v63  }
0x5d: {  	s26 =	simm.s32 $0x5040  }
0x5e: {  	[tilespmem:s26], [sflag:$0x1] =	stream.indirect.gather.add.f32 [spmem:s1], $0x40, s4, s16, $0xb8;
	[tilespmem:$0xD480] =	vst v63  }
0x5f: {  	_ =	swait.ge [sflag:s22], $0x1800  }
0x60: {  	[sflag:s22] =	ssyncset.done $0x0  }
0x61: {  	[sflag:s22] =	ssyncadd.s32 $0xFFFFE800  }
0x62: {  	_ =	swait.ge [sflag:s22], $0x1A00  }
0x63: {  	[sflag:s22] =	ssyncset.done $0x0  }
0x64: {  	[sflag:s22] =	ssyncadd.s32 $0xFFFFE600  }
0x65: {  	_ =	swait.ge [sflag:s22], $0x1800  }
0x66: {  	[sflag:s22] =	ssyncset.done $0x0  }
0x67: {  	[sflag:s22] =	ssyncadd.s32 $0xFFFFE800  }
0x68: {  	_ =	swait.ge [sflag:s22], $0x1A00  }
0x69: {  	[sflag:s22] =	ssyncset.done $0x0  }
0x6a: {  	[sflag:s22] =	ssyncadd.s32 $0xFFFFE600  }
0x6b: {  	[hbm4b:s17+s2] =	stream.linear.scatter [tilespmem:s15], [sflag:$0x3], $0x6400, $0x38;
	[tilespmem:$0xD480] =	vst v63  }
0x6c: {  	_ =	swait.ge [sflag:s5], $0x1800  }
0x6d: {  	[sflag:s5] =	ssyncset.done $0x0  }
0x6e: {  	[sflag:s5] =	ssyncadd.s32 $0xFFFFE800  }
0x6f: {  	_ =	swait.ge [sflag:s5], $0x1A00  }
0x70: {  	[sflag:s5] =	ssyncset.done $0x0  }
0x71: {  	[sflag:s5] =	ssyncadd.s32 $0xFFFFE600  }
0x72: {  	_ =	swait.ge [sflag:s5], $0x1800  }
0x73: {  	[sflag:s5] =	ssyncset.done $0x0  }
0x74: {  	[sflag:s5] =	ssyncadd.s32 $0xFFFFE800  }
0x75: {  	_ =	swait.ge [sflag:s5], $0x1A00  }
0x76: {  	p1 =	seq.s32 s13, $0xC1C;
	[sflag:s5] =	ssyncset.done $0x0  }
0x77: {  	s19 =	simm.s32 @!p1 $0x3;
	[sflag:s5] =	ssyncadd.s32 $0xFFFFE600  }
0x78: {  	_ =	swait.ge @!p1 [sflag:s19], $0x6400  }
0x79: {  	s26 =	sadd.s32 @!p1 s13, s9;
	[sflag:s19] =	ssyncset.done @!p1 $0x0  }
0x7a: {  	[sflag:s19] =	ssyncadd.s32 @!p1 $0xFFFF9C00;
	s19 =	sadd.s32 @!p1 $0x64, s26;
	s26 =	simm.s32 @!p1 $0x0  }
0x7b: {  	[tilespmem:s26], [sflag:$0x5] =	stream.linear.gather @!p1 [hbm4b:s19+s26], $0x190, $0x38;
	[tilespmem:$0xD480] =	vst v63  }
0x7c: {  	s19 =	simm.s32 @!p1 $0x5  }
0x7d: {  	_ =	swait.ge @!p1 [sflag:s19], $0x190  }
0x7e: {  	s21 =	sadd.s32 @!p1 s13, s10;
	[sflag:s19] =	ssyncset.done @!p1 $0x0  }
0x7f: {  	s29 =	simm.s32 @!p1 $0x320;
	s21 =	sadd.s32 @!p1 $0x64, s21;
	[sflag:s19] =	ssyncadd.s32 @!p1 $0xFFFFFE70  }
0x80: {  	[tilespmem:s29], [sflag:$0x5] =	stream.linear.gather @!p1 [hbm4b:s21+s26], $0x190, $0x38;
	[tilespmem:$0xD480] =	vst v63  }
0x81: {  	_ =	swait.ge @!p1 [sflag:s19], $0x190  }
0x82: {  	[sflag:s19] =	ssyncset.done @!p1 $0x0  }
0x83: {  	s21 =	simm.s32 @!p1 $0x640;
	[sflag:s19] =	ssyncadd.s32 @!p1 $0xFFFFFE70;
	s19 =	simm.s32 @!p1 $0x60  }
0x84: {  	[tilespmem:s21], [sflag:$0x1] =	stream.indirect.gather @!p1 [hbm4b:s3+s19], $0x40, s26, s19, $0xb8;
	[tilespmem:$0xD480] =	vst v63  }
0x85: {  	s21 =	simm.s32 @!p1 $0x68;
	s26 =	simm.s32 @!p1 $0x1E40  }
0x86: {  	[tilespmem:s26], [sflag:$0x1] =	stream.indirect.gather @!p1 [hbm4b:s3+s21], $0x40, s19, s21, $0xb8;
	[tilespmem:$0xD480] =	vst v63  }
0x87: {  	s29 =	simm.s32 @!p1 $0x3840;
	s26 =	simm.s32 @!p1 $0xC8  }
0x88: {  	[tilespmem:s29], [sflag:$0x1] =	stream.indirect.gather @!p1 [hbm4b:s3+s19], $0x40, s26, s19, $0xb8;
	[tilespmem:$0xD480] =	vst v63  }
0x89: {  	s19 =	simm.s32 @!p1 $0x128;
	s26 =	simm.s32 @!p1 $0x5040  }
0x8a: {  	[tilespmem:s26], [sflag:$0x1] =	stream.indirect.gather @!p1 [hbm4b:s3+s21], $0x40, s19, s21, $0xb8;
	[tilespmem:$0xD480] =	vst v63  }
0x8b: {  	_ = 	snop  }
0x8c: {  	[tilespmem:s25], [sflag:$0x2] =	stream.indirect.gather.add.f32 [spmem:s1], $0x40, s24, s14, $0xb8;
	[tilespmem:$0xD480] =	vst v63  }
0x8d: {  	_ = 	snop  }
0x8e: {  	[tilespmem:s28], [sflag:$0x2] =	stream.indirect.gather.add.f32 [spmem:s1], $0x40, s6, s16, $0xb8;
	[tilespmem:$0xD480] =	vst v63  }
0x8f: {  	_ = 	snop  }
0x90: {  	[tilespmem:s30], [sflag:$0x2] =	stream.indirect.gather.add.f32 [spmem:s1], $0x40, s7, s14, $0xb8;
	[tilespmem:$0xD480] =	vst v63  }
0x91: {  	_ = 	snop  }
0x92: {  	[tilespmem:s0], [sflag:$0x2] =	stream.indirect.gather.add.f32 [spmem:s1], $0x40, s8, s16, $0xb8;
	[tilespmem:$0xD480] =	vst v63  }
0x93: {  	_ =	swait.ge [sflag:s5], $0x1800  }
0x94: {  	[sflag:s5] =	ssyncset.done $0x0  }
0x95: {  	[sflag:s5] =	ssyncadd.s32 $0xFFFFE800  }
0x96: {  	_ =	swait.ge [sflag:s5], $0x1A00  }
0x97: {  	[sflag:s5] =	ssyncset.done $0x0  }
0x98: {  	[sflag:s5] =	ssyncadd.s32 $0xFFFFE600  }
0x99: {  	_ =	swait.ge [sflag:s5], $0x1800  }
0x9a: {  	[sflag:s5] =	ssyncset.done $0x0  }
.Ltmp2:
0x9b: {  	[sflag:s5] =	ssyncadd.s32 $0xFFFFE800;
	(pc) =	sbr.rel @p1 .LBB2_4-.Ltmp2, $4  }
0x9c: {  	_ =	swait.ge [sflag:s5], $0x1A00  }
0x9d: {  	[sflag:s5] =	ssyncset.done $0x0  }
0x9e: {  	s29 =	sadd.s32 $0xC80, s17;
	[sflag:s5] =	ssyncadd.s32 $0xFFFFE600  }
0x9f: {  	[hbm4b:s29+s2] =	stream.linear.scatter [tilespmem:s25], [sflag:$0x4], $0x6400, $0x38;
	[tilespmem:$0xD480] =	vst v63  }
.Ltmp3:
0xa0: {  	(pc) =	sbr.rel .LBB2_2-.Ltmp3, $4  }
0xa1: {  	_ = 	snop  }
0xa2: {  	_ =	swait.ge [sflag:s11], $0x6400  }
0xa3: {  	[sflag:s11] =	ssyncset.done $0x0  }
0xa4: {  	s17 =	sadd.s32 $0x1900, s17;
	s13 =	sadd.s32 $0x64, s13;
	[sflag:s11] =	ssyncadd.s32 $0xFFFF9C00  }
.LBB2_5:
0xa5: {  	_ =	sfence.sel $0x180000  }
0xa6: {  	[bflag:$0x0] =	sbarrier.arrive $0xFFFF  }
0xa7: {  	_ =	strace $0x9000004A  }
0xa8: {  	[bflag:$0x2] =	sbarrier.arrive $0xFFFF  }
0xa9: {  	s0 =	rddreg [dreg:$0x3]  }
0xaa: {  	s0 =	sadd.s32 @!p0 $0x100000, s0  }
0xab: {  	[sflag:s0] =	ssyncadd.tile.s32 @!p0 $0x1;
	_ =	shalt  }
.Lfunc_end2:
_tile_overlayer_lowered:
.L_overlay_start_2:
0xac: {  	(tag) =	ssettag $0x2  }
0xad: {  	s0 =	rddreg [dreg:$0x0];
	s2 =	stileid.u32  }
0xae: {  	s1 =	rddreg [dreg:$0x1];
	p0 =	sne.s32 s2, $0x0  }
0xaf: {  	s3 =	rddreg [dreg:$0x2];
	[bflag:$0x3] =	sbarrier.arrive $0xFFFF;
	s2 =	simm.s32 @!p0 $0x1C05  }
0xb0: {  	[timem:s3], [sflag:s2] =	dma.local @!p0 [hbm:s0], s1  }
0xb1: {  	s0 =	simm.s32 @!p0 $0x5  }
0xb2: {  	_ =	swait.ge @!p0 [sflag:s0], s1  }
0xb3: {  	s1 =	ssub.s32 @!p0 $0x0, s1;
	[sflag:s0] =	ssyncset.done @!p0 $0x0  }
0xb4: {  	[sflag:s0] =	ssyncadd.s32 @!p0 s1  }
0xb5: {  	[bflag:$0x3] =	sbarrier.arrive $0xFFFF  }
0xb6: {  	_ =	shalt  }

// kernel: sparse-core-data-format-call.1.cloned.1.call-start
scs
called_computation.1_lowered:
.L_overlay_start_0:
0x0: {  	s2 =	sld [smem:$0x3FD9]  }
0x1: {  	s3 =	sld [smem:$0x3FFE];
	_ =	sdelay $0x1  }
0x2: {  	s1 =	srdreg.scid  }
0x3: {  	s0 =	sand.u32 $0x1, s1  }
0x4: {  	s18 =	sshll.u32 s0, $0xA;
	s2 =	sadd.s32 s3, s2  }
0x5: {  	s2 =	sadd.s32 s2, s18  }
0x6: {  	[smem:$0x3FC3] =	sst s2  }
0x7: {  	_ = 	snop  }
0x8: {  	s2 =	sld [smem:$0x3FC7];
	(tm) =	ssettm $0x1  }
0x9: {  	s19 =	sld [smem:$0x3FFB];
	_ =	sdelay $0x3  }
0xa: {  	_ =	strace s19  }
0xb: {  	s3 =	sld [smem:$0x3FFC];
	_ =	sdelay $0x3  }
0xc: {  	_ =	strace s3  }
0xd: {  	s3 =	sld [smem:$0x3FFD];
	_ =	sdelay $0x3  }
0xe: {  	_ =	strace s3  }
0xf: {  	_ =	strace $0x8FFFFFFF  }
0x10: {  	s20 =	sld [smem:$0x3FDB];
	_ =	sdelay $0x1  }
0x11: {  	s4 =	simm.s32 $_scs_section_size  }
0x12: {  	s5 =	simm.s32 $_size__tile_overlayer_lowered;
	s6 =	simm.s32 $_tile_overlayer_lowered  }
0x13: {  	s23 =	simm.s32 $0x1BFF;
	s22 =	sshll.u32 s6, $0x1;
	s3 =	sadd.s32 s4, s20  }
0x14: {  	s7 =	simm.s32 $0x0;
	s21 =	sshll.u32 s5, $0x1;
	s5 =	sadd.s32 s22, s3  }
0x15: {  	[timem:s7], [sflag:s23] =	dma.local [hbm:s5], s21  }
0x16: {  	_ =	swait.ge [sflag:s23], s21  }
0x17: {  	s4 =	ssub.s32 $0x0, s21;
	[sflag:s23] =	ssyncset.done $0x0  }
0x18: {  	[sflag:s23] =	ssyncadd.s32 s4;
	_ =	sdelay $0x1  }
0x19: {  	s24 =	simm.s32 $0x1B8B  }
0x1a: {  	_ =	swait.ge [sflag:s24], $0x1  }
0x1b: {  	[sflag:s24] =	ssyncset.done $0x0  }
0x1c: {  	s26 =	simm.s32 $0x1B8E;
	s25 =	sld [smem:$0x3FFE];
	[sflag:s24] =	ssyncadd.s32 $0xFFFFFFFF  }
0x1d: {  	s27 =	simm.s32 $execute0_lowered;
	[smem:$0x3FD2] =	sst s26  }
0x1e: {  	s5 =	sshll.u32 s27, $0x1;
	_ =	strace $0x80000046;
	[dreg:$0x1] =	wrdreg $0xFFFFFFFF  }
0x1f: {  	s28 =	simm.s32 $_size_execute0_lowered;
	s3 =	sadd.s32 s3, s5;
	[dreg:$0x0] =	wrdreg $0x0  }
0x20: {  	s5 =	sshll.u32 s28, $0x1;
	[dreg:$0x2] =	wrdreg s3  }
0x21: {  	[dreg:$0x3] =	wrdreg s5  }
0x22: {  	[dreg:$0x4] =	wrdreg $0xC0  }
0x23: {  	_ =	task [dreg:s7], $0x5FFFF  }
0x24: {  	[dreg:$0x1] =	wrdreg $0xFFFFFFFF  }
0x25: {  	[dreg:$0x0] =	wrdreg $0x60  }
0x26: {  	[dreg:$0x2] =	wrdreg s2  }
0x27: {  	[dreg:$0x3] =	wrdreg s25  }
0x28: {  	[dreg:$0x4] =	wrdreg $0x9  }
0x29: {  	_ =	task.clear_ibuf [dreg:s7], $0x5FFFF;
	_ =	strace $0x90000046  }
0x2a: {  	s29 =	simm.s32 $0x9;
	_ =	strace $0x80000048  }
0x2b: {  	_ =	swait.ge [sflag:s29], $0x1  }
0x2c: {  	[sflag:s29] =	ssyncadd.s32 $0xFFFFFFFF  }
0x2d: {  	_ =	strace $0x90000048  }
0x2e: {  	_ =	sfence  }
0x2f: {  	s30 =	sld [smem:$0x0];
	_ =	sdelay $0x2  }
0x30: {  	s31 =	sshll.u32 s1, $0xD;
	s1 =	sshrl.u32 s1, $0x2  }
0x31: {  	s3 =	sand.u32 $0x4000, s31;
	s1 =	sadd.s32 s1, s30  }
0x32: {  	s0 =	sor.u32 s3, s0;
	s1 =	sshll.u32 s1, $0x11  }
0x33: {  	s0 =	sor.u32 s1, s0  }
0x34: {  	s0 =	sadd.s32 $0x8F2B, s0  }
0x35: {  	[sflag:s0] =	ssyncadd.remote.s32 $0x1  }
0x36: {  	_ =	sfence.sel $0xFFFF  }
0x37: {  	[dreg:$0x0] =	wrdreg $0xFFFFFFFF;
	(pc) =	sbr.abs _section_cstart, $3  }
0x38: {  	[dreg:$0x1] =	wrdreg $0xFFFFFFFF  }
0x39: {  	_ =	task.clear_ibuf [dreg:s7], $0x2FFFF;
	_ =	strace $0x9FFFFFFF  }
0x3a: {  	(tm) =	ssettm $0x7FFFFFFF  }
0x3b: {  	_ =	shalt  }
tec
execute0_lowered:
.L_overlay_start_1:
0x0: {  	(tag) =	ssettag $0x1  }
0x1: {  	s0 =	srdreg.scid;
	s2 =	rddreg [dreg:$0x0]  }
0x2: {  	s5 =	rddreg [dreg:$0x1];
	s1 =	stileid.u32  }
0x3: {  	s4 =	simm.s32 $0x1;
	s6 =	simm.s32 $0x2;
	s15 =	simm.s32 $0x0  }
0x4: {  	p0 =	por $0x0, $0x0;
	s8 =	simm.s32 $0x80;
	s0 =	sshll.u32 s0, $0x4  }
0x5: {  	s14 =	simm.s32 $0x0;
	s9 =	simm.s32 $0x0;
	s3 =	sand.u32 $0x10, s0  }
.Ltmp0:
0x6: {  	s10 =	simm.s32 $0x0;
	s3 =	sor.u32 s1, s3;
	(pc) =	sbr.rel .LBB1_1-.Ltmp0, $4  }
0x7: {  	s0 =	rddreg [dreg:$0x2];
	_ =	strace $0x80000047;
	s3 =	sshll.u32 s3, $0x7  }
0x8: {  	s12 =	simm.s32 $0x0;
	[sflag:s4] =	ssyncpa.u1 $0x0;
	s7 =	ssub.s32 $0xF4200, s3  }
0x9: {  	s13 =	simm.s32 $0x0;
	[sflag:s6] =	ssyncpa.u1 $0x0;
	s6 =	sshrl.u32 s7, $0xC  }
0xa: {  	s5 =	sadd.s32 $0x1600, s5;
	s11 =	smov.u32 s3;
	s7 =	sadd.s32 $0x2, s6  }
.LBB1_5:
0xb: {  	p1 =	slt.u32 s13, $0x2  }
0xc: {  	s17 =	smov.u32 s15;
	p2 =	sgt.s32 @!p1 s15, $0xF41C0;
	s16 =	sshra.s32 @!p1 s15, $0x1F  }
0xd: {  	p3 =	sgt.s32 @!p1 s14, $0x40;
	s18 =	sshra.s32 @!p1 s14, $0x1F;
	p2 =	por !p2, p1  }
0xe: {  	s15 =	sand.u32 @!p1 s16, s15;
	p3 =	por !p3, p1;
	s16 =	smov.u32 s14  }
0xf: {  	s14 =	sand.u32 @!p1 s18, s14;
	s17 =	simm.s32 @p2 $0xF41C0;
	s16 =	simm.s32 @p3 $0x40  }
0x10: {  	s15 =	ssub.s32 @!p1 s17, s15;
	s14 =	ssub.s32 @!p1 s16, s14  }
0x11: {  	s18 =	smov.u32 s12;
	s16 =	sadd.s32 @!p1 $0xFFF0BE40, s15;
	s17 =	sadd.s32 @!p1 $0xFFFFFFC0, s14  }
0x12: {  	s15 =	ssub.s32 @!p1 $0xF4240, s15;
	p2 =	sgt.s32 @!p1 s16, $0x7F;
	p3 =	sgt.s32 @!p1 s17, $0x3F  }
0x13: {  	s14 =	ssub.s32 @!p1 $0x80, s14;
	p2 =	por !p2, p1;
	p3 =	por !p3, p1  }
0x14: {  	s16 =	sadd.s32 $0x1000, s11;
	s15 =	simm.s32 @!p2 $0x0;
	s14 =	simm.s32 @!p3 $0x0  }
0x15: {  	p2 =	sgt.s32 s16, $0xF423F;
	s14 =	smul.u32 @!p1 s14, s15;
	s15 =	sadd.s32 $0x40, s12  }
0x16: {  	s18 =	smov.u32 @p2 s15  }
0x17: {  	s16 =	smov.u32 @p2 s3;
	p2 =	sgt.s32 s18, $0x3F  }
0x18: {  	s18 =	simm.s32 @p2 $0x0;
	p2 =	sne.s32 s13, s7  }
.Ltmp1:
0x19: {  	p0 =	por !p0, !p0;
	s17 =	simm.s32 @!p1 $0x2;
	(pc) =	sbr.rel @!p2 .LBB1_6-.Ltmp1, $4  }
0x1a: {  	s15 =	smov.u32 s9;
	s9 =	smov.u32 s11;
	s14 =	sand.u32 @!p1 $0x3FFFFFFF, s14  }
0x1b: {  	s11 =	smov.u32 s16;
	_ =	swait.ge @!p1 [sflag:s17], s14;
	s19 =	ssub.s32 @!p1 $0x0, s14  }
0x1c: {  	s14 =	smov.u32 s10;
	s13 =	sadd.s32 $0x1, s13;
	[sflag:s17] =	ssyncset.done @!p1 $0x0  }
0x1d: {  	s10 =	smov.u32 s12;
	s12 =	smov.u32 s18;
	[sflag:s17] =	ssyncadd.s32 @!p1 s19  }
.LBB1_1:
0x1e: {  	p1 =	sgt.u32 s13, s6  }
0x1f: {  	s16 =	sshrl.u32 @!p1 s12, $0x3  }
0x20: {  	s17 =	sshll.u32 @!p1 s11, $0x3;
	s16 =	smul.u32 @!p1 $0x7A1400, s16  }
0x21: {  	s18 =	sshll.u32 @!p1 s12, $0x7;
	s17 =	sand.u32 @!p1 $0xFFFFFC00, s17  }
0x22: {  	s16 =	sadd.s32 @!p1 s16, s17;
	s17 =	sand.u32 @!p1 $0x380, s18  }
0x23: {  	s18 =	sand.u32 @!p1 $0x7F, s11;
	s16 =	sor.u32 @!p1 s17, s16  }
0x24: {  	s17 =	sor.u32 @!p1 s18, s16  }
0x25: {  	s18 =	smulhi.u32 @!p1 $0x218D6287, s17;
	_ =	sdelay $0x1  }
0x26: {  	s16 =	smulhi.u32 @!p1 $0x218D6287, s16;
	s18 =	sshrl.u32 @!p1 s18, $0x11  }
0x27: {  	s18 =	smul.u32 @!p1 $0xF4280, s18  }
0x28: {  	s19 =	sxor.u32 @!p1 $0xFFFFFFFF, s13;
	s16 =	sshrl.u32 @!p1 s16, $0x11  }
0x29: {  	s19 =	sshll.u32 @!p1 s19, $0xD;
	s16 =	sand.u32 @!p1 $0x3F, s16;
	s17 =	ssub.s32 @!p1 s17, s18  }
0x2a: {  	s16 =	smul.u32 @!p1 $0x1E850, s16;
	s18 =	sshrl.u32 @!p1 s17, $0x3;
	s17 =	sand.u32 @!p1 $0x7, s17  }
0x2b: {  	s19 =	sand.u32 @!p1 $0x2000, s19;
	s18 =	sadd.s32 @!p1 s2, s18;
	s17 =	sshll.u32 @!p1 s17, $0x12  }
0x2c: {  	s16 =	sadd.s32 @!p1 s16, s18;
	s17 =	sor.u32 @!p1 $0x400, s17;
	s18 =	simm.s32 @!p1 $0x7A1400  }
0x2d: {  	[tilespmem:s19], [sflag:$0x1] =	stream.strided.gather @!p1 [hbm4b:s16+s17], $0x2000, s18, s17, $0x38;
	[tilespmem:$0x8100] =	vst v63  }
0x2e: {  	p1 =	seq.s32 s13, $0x0  }
0x2f: {  	p2 =	sge.u32 @!p1 s13, s7  }
0x30: {  	p1 =	por p1, p2  }
.Ltmp2:
0x31: {  	_ = 	snop;
	(pc) =	sbr.rel @p1 .LBB1_5-.Ltmp2, $1  }
0x32: {  	_ =	sdelay $0x3  }
0x33: {  	s16 =	simm.s32 $0x1  }
0x34: {  	_ =	swait.ge [sflag:s4], $0x2000;
	s16 =	simm.s32 @!p0 $0x0  }
0x35: {  	[sflag:s4] =	ssyncset.done $0x0;
	s17 =	sshll.u32 s16, $0xD  }
0x36: {  	[sflag:s4] =	ssyncadd.s32 $0xFFFFE000;
	s17 =	sor.u32 $0x40, s17  }
0x37: {  	s16 =	smul.u32 $0x8200, s16;
	v0 =	vld [tilespmem:s17+$0x30]  }
0x38: {  	v1 =	vld [tilespmem:s17+$0xFFFFFFD0]  }
0x39: {  	s16 =	sshrl.u32 s16, $0x2;
	v5 =	vld [tilespmem:s17+$0xFFFFFFE0]  }
0x3a: {  	v6 =	vld [tilespmem:s17+$0xFFFFFFF0];
	s19 =	sor.u32 $0x4000, s16  }
0x3b: {  	s31 =	sand.u32 $0x1, s13;
	v4 =	vld [tilespmem:s17+$0x0];
	s18 =	sadd.s32 $0x0, s19  }
0x3c: {  	v3 =	vld [tilespmem:s17+$0x10];
	s16 =	smul.u32 $0x8200, s31;
	[tilespmem:s18+$0x1C70 ss:$0x41] =	vst.msk $0xffff, v0  }
0x3d: {  	v2 =	vld [tilespmem:s17+$0x20];
	[tilespmem:s18+$0x410 ss:$0x41] =	vst.msk $0xffff, v1  }
0x3e: {  	s16 =	sshrl.u32 s16, $0x2;
	v1 =	vld [tilespmem:s17+$0xFFFFFFC0];
	[tilespmem:s18+$0x820 ss:$0x41] =	vst.msk $0xffff, v5;
	s17 =	sadd.s32 $0x80, s17  }
0x3f: {  	s20 =	simm.s32 $0x4;
	s21 =	simm.s32 $0x8;
	s16 =	sor.u32 $0x4000, s16;
	[tilespmem:s18+$0xC30 ss:$0x41] =	vst.msk $0xffff, v6;
	v0 =	vld [tilespmem:s17+$0x30]  }
.LBB1_3:
0x40: {  	p1 =	sne.s32 s21, $0xFC;
	v5 =	vld [tilespmem:s17+$0xFFFFFFD0];
	[tilespmem:s18+$0x1040 ss:$0x41] =	vst.msk $0xffff, v4  }
0x41: {  	v6 =	vld [tilespmem:s17+$0xFFFFFFE0];
	[tilespmem:s18+$0x1450 ss:$0x41] =	vst.msk $0xffff, v3  }
0x42: {  	s22 =	sshra.s32 s20, $0x2;
	s20 =	smov.u32 s21;
	v7 =	vld [tilespmem:s17+$0xFFFFFFF0];
	[tilespmem:s18+$0x1860 ss:$0x41] =	vst.msk $0xffff, v2  }
.Ltmp3:
0x43: {  	v4 =	vld [tilespmem:s17+$0x0];
	[tilespmem:s18+$0x0 ss:$0x41] =	vst.msk $0xffff, v1;
	s18 =	sadd.s32 s22, s19;
	(pc) =	sbr.rel @p1 .LBB1_3-.Ltmp3, $4  }
0x44: {  	v3 =	vld [tilespmem:s17+$0x10];
	[tilespmem:s18+$0x1C70 ss:$0x41] =	vst.msk $0xffff, v0  }
0x45: {  	[tilespmem:s18+$0x410 ss:$0x41] =	vst.msk $0xffff, v5;
	v2 =	vld [tilespmem:s17+$0x20]  }
0x46: {  	v1 =	vld [tilespmem:s17+$0xFFFFFFC0];
	[tilespmem:s18+$0x820 ss:$0x41] =	vst.msk $0xffff, v6;
	s17 =	sadd.s32 $0x80, s17  }
0x47: {  	s21 =	sadd.s32 $0x4, s21;
	v0 =	vld [tilespmem:s17+$0x30];
	[tilespmem:s18+$0xC30 ss:$0x41] =	vst.msk $0xffff, v7  }
0x48: {  	s21 =	sshll.u32 s9, $0x7;
	s22 =	sshll.u32 s10, $0x3;
	s20 =	sshra.s32 s20, $0x2  }
0x49: {  	p1 =	sgt.s32 s9, $0xF41C0;
	s30 =	sshra.s32 s9, $0x1F;
	s25 =	sshra.s32 s10, $0x1F  }
0x4a: {  	v5 =	vld [tilespmem:s17+$0xFFFFFFD0];
	s28 =	sshrl.u32 s10, $0x3;
	s23 =	sand.u32 $0xFFFFFC00, s21;
	s22 =	sand.u32 $0xFFFFFC00, s22  }
0x4b: {  	[tilespmem:s18+$0x1040 ss:$0x41] =	vst.msk $0xffff, v4;
	v58 =	vld [tilespmem:s17+$0xFFFFFFE0];
	s21 =	sand.u32 $0x380, s21;
	s19 =	sadd.s32 s20, s19;
	s22 =	sadd.s32 s22, s23  }
0x4c: {  	v59 =	vld [tilespmem:s17+$0xFFFFFFF0];
	[tilespmem:s18+$0x1450 ss:$0x41] =	vst.msk $0xffff, v3;
	s29 =	sor.u32 s21, s22;
	s21 =	smov.u32 s9;
	s22 =	sand.u32 s30, s9  }
0x4d: {  	v60 =	vld [tilespmem:s17+$0x0];
	[tilespmem:s18+$0x1860 ss:$0x41] =	vst.msk $0xffff, v2;
	s30 =	sand.u32 $0x7, s10;
	s20 =	sshrl.u32 s29, $0x7;
	s21 =	simm.s32 @!p1 $0xF41C0  }
0x4e: {  	v61 =	vld [tilespmem:s17+$0x10];
	[tilespmem:s18+$0x0 ss:$0x41] =	vst.msk $0xffff, v1;
	p1 =	sgt.s32 s10, $0x40;
	s24 =	ssub.s32 s21, s22;
	s21 =	smov.u32 s10  }
0x4f: {  	v62 =	vld [tilespmem:s17+$0x20];
	[tilespmem:s19+$0x1C70 ss:$0x41] =	vst.msk $0xffff, v0;
	s31 =	smulhi.u32 $0x218DEF5, s20;
	s22 =	sand.u32 s25, s10;
	s21 =	simm.s32 @!p1 $0x40  }
0x50: {  	v63 =	vld [tilespmem:s17+$0xFFFFFFC0];
	[tilespmem:s19+$0x410 ss:$0x41] =	vst.msk $0xffff, v5;
	s26 =	sadd.s32 $0xFFF0BE40, s24;
	s17 =	ssub.s32 $0xF4240, s24;
	s21 =	ssub.s32 s21, s22  }
0x51: {  	[tilespmem:s19+$0x820 ss:$0x41] =	vst.msk $0xffff, v58;
	s23 =	sshrl.u32 s31, $0xD;
	p1 =	sgt.s32 s26, $0x7F;
	s27 =	sadd.s32 $0xFFFFFFC0, s21  }
0x52: {  	[tilespmem:s19+$0xC30 ss:$0x41] =	vst.msk $0xffff, v59;
	s23 =	smul.u32 $0xF4240, s23;
	s18 =	ssub.s32 $0x80, s21;
	p2 =	sgt.s32 s27, $0x3F  }
.Ltmp4:
0x53: {  	[tilespmem:s19+$0x1040 ss:$0x41] =	vst.msk $0xffff, v60;
	s17 =	simm.s32 @p1 $0x0;
	s18 =	simm.s32 @p2 $0x0;
	(pc) =	sbr.rel .LBB1_5-.Ltmp4, $4  }
0x54: {  	s29 =	sand.u32 $0xF, s28;
	[tilespmem:s19+$0x1450 ss:$0x41] =	vst.msk $0xffff, v61;
	s20 =	ssub.s32 s20, s23;
	s17 =	smul.u32 s18, s17  }
0x55: {  	[tilespmem:s19+$0x1860 ss:$0x41] =	vst.msk $0xffff, v62;
	s21 =	sshll.u32 s30, $0x12;
	s20 =	sshll.u32 s20, $0x4;
	s18 =	sadd.s32 s5, s29  }
0x56: {  	[tilespmem:s19+$0x0 ss:$0x41] =	vst.msk $0xffff, v63;
	s31 =	sor.u32 $0x40, s21;
	s18 =	sadd.s32 s20, s18;
	s17 =	sand.u32 $0x3FFFFFFF, s17  }
0x57: {  	[hbm4b:s18+s31] =	stream.strided.scatter [tilespmem:s16], [sflag:$0x2], s17, s8, s31, $0x18;
	[tilespmem:$0x8100] =	vst v63  }
.LBB1_6:
0x58: {  	_ =	sfence.sel $0x180000  }
0x59: {  	s2 =	simm.s32 $0x1;
	[bflag:$0x0] =	sbarrier.arrive $0xFFFF  }
0x5a: {  	s31 =	simm.s32 $0x2;
	[sflag:s2] =	ssyncpa.u1 $0x1  }
0x5b: {  	[sflag:s31] =	ssyncpa.u1 $0x1  }
0x5c: {  	p0 =	sne.s32 s1, $0x0;
	_ =	strace $0x90000047  }
0x5d: {  	s0 =	sadd.s32 @!p0 $0x100000, s0;
	[bflag:$0x2] =	sbarrier.arrive $0xFFFF  }
0x5e: {  	[sflag:s0] =	ssyncadd.tile.s32 @!p0 $0x1;
	_ =	shalt  }
.Lfunc_end1:
_tile_overlayer_lowered:
.L_overlay_start_2:
0x5f: {  	(tag) =	ssettag $0x2  }
0x60: {  	s0 =	rddreg [dreg:$0x0];
	s2 =	stileid.u32  }
0x61: {  	s1 =	rddreg [dreg:$0x1];
	p0 =	sne.s32 s2, $0x0  }
0x62: {  	s3 =	rddreg [dreg:$0x2];
	[bflag:$0x3] =	sbarrier.arrive $0xFFFF;
	s2 =	simm.s32 @!p0 $0x1C01  }
0x63: {  	[timem:s3], [sflag:s2] =	dma.local @!p0 [hbm:s0], s1  }
0x64: {  	s0 =	simm.s32 @!p0 $0x1  }
0x65: {  	_ =	swait.ge @!p0 [sflag:s0], s1  }
0x66: {  	s1 =	ssub.s32 @!p0 $0x0, s1;
	[sflag:s0] =	ssyncset.done @!p0 $0x0  }
0x67: {  	[sflag:s0] =	ssyncadd.s32 @!p0 s1  }
0x68: {  	[bflag:$0x3] =	sbarrier.arrive $0xFFFF  }
0x69: {  	_ =	shalt  }

// kernel: sparse-core-data-format-call.cloned.1.call-start
scs
called_computation_lowered:
.L_overlay_start_0:
0x0: {  	s2 =	sld [smem:$0x3FD9]  }
0x1: {  	s3 =	sld [smem:$0x3FFE];
	_ =	sdelay $0x1  }
0x2: {  	s1 =	srdreg.scid  }
0x3: {  	s0 =	sand.u32 $0x1, s1  }
0x4: {  	s18 =	sshll.u32 s0, $0xA;
	s2 =	sadd.s32 s3, s2  }
0x5: {  	s2 =	sadd.s32 s2, s18  }
0x6: {  	[smem:$0x3FC3] =	sst s2  }
0x7: {  	_ = 	snop  }
0x8: {  	s2 =	sld [smem:$0x3FD0];
	(tm) =	ssettm $0x1  }
0x9: {  	s19 =	sld [smem:$0x3FFB];
	_ =	sdelay $0x3  }
0xa: {  	_ =	strace s19  }
0xb: {  	s3 =	sld [smem:$0x3FFC];
	_ =	sdelay $0x3  }
0xc: {  	_ =	strace s3  }
0xd: {  	s3 =	sld [smem:$0x3FFD];
	_ =	sdelay $0x3  }
0xe: {  	_ =	strace s3  }
0xf: {  	_ =	strace $0x8FFFFFFF  }
0x10: {  	s20 =	sld [smem:$0x3FDB];
	_ =	sdelay $0x1  }
0x11: {  	s4 =	simm.s32 $_scs_section_size  }
0x12: {  	s5 =	simm.s32 $_size__tile_overlayer_lowered;
	s6 =	simm.s32 $_tile_overlayer_lowered  }
0x13: {  	s23 =	simm.s32 $0x1BFF;
	s22 =	sshll.u32 s6, $0x1;
	s3 =	sadd.s32 s4, s20  }
0x14: {  	s7 =	simm.s32 $0x0;
	s21 =	sshll.u32 s5, $0x1;
	s5 =	sadd.s32 s22, s3  }
0x15: {  	[timem:s7], [sflag:s23] =	dma.local [hbm:s5], s21  }
0x16: {  	_ =	swait.ge [sflag:s23], s21  }
0x17: {  	s4 =	ssub.s32 $0x0, s21;
	[sflag:s23] =	ssyncset.done $0x0  }
0x18: {  	[sflag:s23] =	ssyncadd.s32 s4;
	_ =	sdelay $0x1  }
0x19: {  	s24 =	simm.s32 $0x1B8B  }
0x1a: {  	_ =	swait.ge [sflag:s24], $0x1  }
0x1b: {  	[sflag:s24] =	ssyncset.done $0x0  }
0x1c: {  	s26 =	simm.s32 $0x1B8E;
	s25 =	sld [smem:$0x3FFE];
	[sflag:s24] =	ssyncadd.s32 $0xFFFFFFFF  }
0x1d: {  	s27 =	simm.s32 $execute0_lowered;
	[smem:$0x3FD2] =	sst s26  }
0x1e: {  	s5 =	sshll.u32 s27, $0x1;
	_ =	strace $0x8000004C;
	[dreg:$0x1] =	wrdreg $0xFFFFFFFF  }
0x1f: {  	s28 =	simm.s32 $_size_execute0_lowered;
	s3 =	sadd.s32 s3, s5;
	[dreg:$0x0] =	wrdreg $0x0  }
0x20: {  	s5 =	sshll.u32 s28, $0x1;
	[dreg:$0x2] =	wrdreg s3  }
0x21: {  	[dreg:$0x3] =	wrdreg s5  }
0x22: {  	[dreg:$0x4] =	wrdreg $0xC0  }
0x23: {  	_ =	task [dreg:s7], $0x5FFFF  }
0x24: {  	[dreg:$0x1] =	wrdreg $0xFFFFFFFF  }
0x25: {  	[dreg:$0x0] =	wrdreg $0x60  }
0x26: {  	[dreg:$0x2] =	wrdreg s25  }
0x27: {  	[dreg:$0x3] =	wrdreg s2  }
0x28: {  	[dreg:$0x4] =	wrdreg $0x9  }
0x29: {  	_ =	task.clear_ibuf [dreg:s7], $0x5FFFF;
	_ =	strace $0x9000004C  }
0x2a: {  	s29 =	simm.s32 $0x9;
	_ =	strace $0x8000004E  }
0x2b: {  	_ =	swait.ge [sflag:s29], $0x1  }
0x2c: {  	[sflag:s29] =	ssyncadd.s32 $0xFFFFFFFF  }
0x2d: {  	_ =	strace $0x9000004E  }
0x2e: {  	_ =	sfence  }
0x2f: {  	s30 =	sld [smem:$0x0];
	_ =	sdelay $0x2  }
0x30: {  	s31 =	sshll.u32 s1, $0xD;
	s1 =	sshrl.u32 s1, $0x2  }
0x31: {  	s3 =	sand.u32 $0x4000, s31;
	s1 =	sadd.s32 s1, s30  }
0x32: {  	s0 =	sor.u32 s3, s0;
	s1 =	sshll.u32 s1, $0x11  }
0x33: {  	s0 =	sor.u32 s1, s0  }
0x34: {  	s0 =	sadd.s32 $0x8F2B, s0  }
0x35: {  	[sflag:s0] =	ssyncadd.remote.s32 $0x1  }
0x36: {  	_ =	sfence.sel $0xFFFF  }
0x37: {  	[dreg:$0x0] =	wrdreg $0xFFFFFFFF;
	(pc) =	sbr.abs _section_cstart, $3  }
0x38: {  	[dreg:$0x1] =	wrdreg $0xFFFFFFFF  }
0x39: {  	_ =	task.clear_ibuf [dreg:s7], $0x2FFFF;
	_ =	strace $0x9FFFFFFF  }
0x3a: {  	(tm) =	ssettm $0x7FFFFFFF  }
0x3b: {  	_ =	shalt  }
tec
execute0_lowered:
.L_overlay_start_1:
0x0: {  	(tag) =	ssettag $0x1  }
0x1: {  	s0 =	srdreg.scid  }
0x2: {  	s1 =	sshll.u32 s0, $0x4  }
0x3: {  	s0 =	stileid.u32;
	s1 =	sand.u32 $0x10, s1  }
0x4: {  	s1 =	sor.u32 s0, s1  }
0x5: {  	s6 =	rddreg [dreg:$0x0];
	s4 =	simm.s32 $0x1;
	s2 =	sshll.u32 s1, $0x7  }
0x6: {  	s7 =	simm.s32 $0x2;
	s12 =	simm.s32 $0x0;
	s1 =	ssub.s32 $0x1000, s2  }
0x7: {  	s8 =	simm.s32 $0x8000;
	s13 =	simm.s32 $0x0;
	s3 =	sand.u32 $0xF80, s1  }
0x8: {  	s9 =	simm.s32 $0x0;
	s5 =	sshrl.u32 s1, $0xC;
	p0 =	sne.s32 s3, $0x0  }
.Ltmp0:
0x9: {  	s1 =	rddreg [dreg:$0x2];
	s4 =	simm.s32 @!p0 $0x0;
	(pc) =	sbr.rel .LBB1_1-.Ltmp0, $4  }
0xa: {  	s11 =	simm.s32 $0x0;
	s3 =	rddreg [dreg:$0x1];
	s5 =	sadd.s32 s4, s5  }
0xb: {  	_ =	strace $0x8000004D;
	s4 =	simm.s32 $0x1;
	s5 =	smul.u32 $0xC8, s5  }
0xc: {  	s6 =	sadd.s32 $0x1600, s6;
	s10 =	smov.u32 s2;
	[sflag:s4] =	ssyncpa.u1 $0x0  }
0xd: {  	p0 =	por $0x0, $0x0;
	[sflag:s7] =	ssyncpa.u1 $0x0;
	s7 =	sor.u32 $0x1, s5  }
.LBB1_4:
0xe: {  	s16 =	sshll.u32 s13, $0x3;
	s17 =	sand.u32 $0x78, s13  }
0xf: {  	s30 =	sand.u32 $0x7E00, s13;
	s12 =	sshll.u32 s12, $0xF;
	s16 =	sand.u32 $0xC00, s16  }
0x10: {  	[tilespmem:s15+$0x810 ss:$0x81] =	vst.msk $0xffff, v2;
	s31 =	sand.u32 $0x7, s13;
	s16 =	sor.u32 s17, s16;
	s17 =	sadd.s32 s3, s30  }
0x11: {  	[tilespmem:s15+$0x1020 ss:$0x81] =	vst.msk $0xffff, v0;
	s13 =	sshll.u32 s31, $0x12;
	s12 =	sadd.s32 s12, s17;
	s16 =	sshrl.u32 s16, $0x3  }
0x12: {  	[tilespmem:s15+$0x0 ss:$0x81] =	vst.msk $0xffff, v1;
	s13 =	sor.u32 $0x400, s13;
	s12 =	sadd.s32 s16, s12  }
0x13: {  	[hbm4b:s12+s13] =	stream.strided.scatter [tilespmem:s14], [sflag:$0x2], $0x2000, s8, s13, $0x20;
	[tilespmem:$0x8080] =	vst v63  }
.LBB1_5:
0x14: {  	s14 =	sadd.s32 $0x1, s9  }
0x15: {  	s12 =	sadd.s32 $0x1000, s10;
	s16 =	smov.u32 s10;
	p2 =	sgt.s32 s14, $0xC7  }
0x16: {  	s16 =	smov.u32 @p2 s12  }
0x17: {  	s14 =	simm.s32 @p2 $0x0;
	p2 =	sgt.s32 s16, $0xFFF  }
0x18: {  	s16 =	smov.u32 @p2 s2;
	p2 =	sne.s32 s11, s7  }
.Ltmp1:
0x19: {  	p1 =	slt.u32 s11, $0x2;
	(pc) =	sbr.rel @!p2 .LBB1_6-.Ltmp1, $4  }
0x1a: {  	s15 =	simm.s32 @!p1 $0x2  }
0x1b: {  	s13 =	smov.u32 s10;
	p0 =	por !p0, !p0;
	_ =	swait.ge @!p1 [sflag:s15], $0x2000  }
0x1c: {  	s12 =	smov.u32 s9;
	[sflag:s15] =	ssyncset.done @!p1 $0x0;
	s9 =	smov.u32 s14  }
0x1d: {  	s11 =	sadd.s32 $0x1, s11;
	[sflag:s15] =	ssyncadd.s32 @!p1 $0xFFFFE000;
	s10 =	smov.u32 s16  }
.LBB1_1:
0x1e: {  	p1 =	sge.u32 s11, s5  }
0x1f: {  	s14 =	sand.u32 @!p1 $0x1FFFFFF, s9  }
0x20: {  	s15 =	smulhi.u32 @!p1 $0x147AE15, s14;
	_ =	sdelay $0x1  }
0x21: {  	s15 =	smul.u32 @!p1 $0xC8, s15  }
0x22: {  	s16 =	sxor.u32 @!p1 $0xFFFFFFFF, s11;
	s17 =	smul.u32 @!p1 $0xC80, s10  }
0x23: {  	s31 =	sadd.s32 $0xFFFFFFFF, s11;
	s16 =	sshll.u32 @!p1 s16, $0xD;
	s14 =	ssub.s32 @!p1 s14, s15  }
0x24: {  	s15 =	sand.u32 @!p1 $0x2000, s16;
	s16 =	sadd.s32 @!p1 s6, s17;
	s14 =	sshll.u32 @!p1 s14, $0x4  }
0x25: {  	s17 =	simm.s32 @!p1 $0x6400;
	s14 =	sadd.s32 @!p1 s14, s16;
	s16 =	simm.s32 @!p1 $0x40  }
0x26: {  	[tilespmem:s15], [sflag:$0x1] =	stream.strided.gather @!p1 [hbm4b:s14+s16], $0x2000, s17, s16, $0x38;
	[tilespmem:$0x8080] =	vst v63  }
0x27: {  	p1 =	sge.u32 s31, s5  }
.Ltmp2:
0x28: {  	_ = 	snop;
	(pc) =	sbr.rel @p1 .LBB1_5-.Ltmp2, $1  }
0x29: {  	_ =	sdelay $0x3  }
0x2a: {  	s14 =	simm.s32 $0x1  }
0x2b: {  	_ =	swait.ge [sflag:s4], $0x2000;
	s14 =	simm.s32 @!p0 $0x0  }
0x2c: {  	[sflag:s4] =	ssyncset.done $0x0;
	s15 =	sshll.u32 s14, $0xD  }
0x2d: {  	[sflag:s4] =	ssyncadd.s32 $0xFFFFE000;
	s18 =	sor.u32 $0x20, s15  }
0x2e: {  	s14 =	smul.u32 $0x8100, s14;
	v3 =	vld [tilespmem:s18+$0x10]  }
0x2f: {  	s30 =	sand.u32 $0x1, s11;
	v2 =	vld [tilespmem:s18+$0xFFFFFFF0]  }
0x30: {  	s15 =	smul.u32 $0x8100, s30;
	s14 =	sshrl.u32 s14, $0x2;
	v0 =	vld [tilespmem:s18+$0x0]  }
0x31: {  	v1 =	vld [tilespmem:s18+$0xFFFFFFE0];
	s16 =	sor.u32 $0x4000, s14  }
0x32: {  	s31 =	sshrl.u32 s15, $0x2;
	s15 =	sadd.s32 $0x0, s16  }
0x33: {  	s17 =	simm.s32 $0x4;
	s18 =	sadd.s32 $0x40, s18;
	s14 =	sor.u32 $0x4000, s31;
	[tilespmem:s15+$0x1830 ss:$0x81] =	vst.msk $0xffff, v3  }
.LBB1_3:
0x34: {  	v3 =	vld [tilespmem:s18+$0x10];
	p1 =	sne.s32 s17, $0x1FC;
	[tilespmem:s15+$0x810 ss:$0x81] =	vst.msk $0xffff, v2;
	s19 =	smov.u32 s17;
	s17 =	sadd.s32 $0x4, s17  }
.Ltmp3:
0x35: {  	v2 =	vld [tilespmem:s18+$0xFFFFFFF0];
	[tilespmem:s15+$0x1020 ss:$0x81] =	vst.msk $0xffff, v0;
	(pc) =	sbr.rel @p1 .LBB1_3-.Ltmp3, $4  }
0x36: {  	v0 =	vld [tilespmem:s18+$0x0];
	[tilespmem:s15+$0x0 ss:$0x81] =	vst.msk $0xffff, v1  }
0x37: {  	s15 =	sshra.s32 s19, $0x2;
	v1 =	vld [tilespmem:s18+$0xFFFFFFE0]  }
0x38: {  	s15 =	sadd.s32 s15, s16  }
0x39: {  	s18 =	sadd.s32 $0x40, s18;
	[tilespmem:s15+$0x1830 ss:$0x81] =	vst.msk $0xffff, v3  }
.Ltmp4:
0x3a: {  	_ = 	snop;
	(pc) =	sbr.rel .LBB1_4-.Ltmp4, $1  }
0x3b: {  	_ =	sdelay $0x3  }
.LBB1_6:
0x3c: {  	_ =	sfence.sel $0x180000  }
0x3d: {  	s2 =	simm.s32 $0x1;
	[bflag:$0x0] =	sbarrier.arrive $0xFFFF  }
0x3e: {  	s31 =	simm.s32 $0x2;
	[sflag:s2] =	ssyncpa.u1 $0x1  }
0x3f: {  	[sflag:s31] =	ssyncpa.u1 $0x1  }
0x40: {  	p0 =	sne.s32 s0, $0x0;
	_ =	strace $0x9000004D  }
0x41: {  	s0 =	sadd.s32 @!p0 $0x100000, s1;
	[bflag:$0x2] =	sbarrier.arrive $0xFFFF  }
0x42: {  	[sflag:s0] =	ssyncadd.tile.s32 @!p0 $0x1;
	_ =	shalt  }
.Lfunc_end1:
_tile_overlayer_lowered:
.L_overlay_start_2:
0x43: {  	(tag) =	ssettag $0x2  }
0x44: {  	s0 =	rddreg [dreg:$0x0];
	s2 =	stileid.u32  }
0x45: {  	s1 =	rddreg [dreg:$0x1];
	p0 =	sne.s32 s2, $0x0  }
0x46: {  	s3 =	rddreg [dreg:$0x2];
	[bflag:$0x3] =	sbarrier.arrive $0xFFFF;
	s2 =	simm.s32 @!p0 $0x1C01  }
0x47: {  	[timem:s3], [sflag:s2] =	dma.local @!p0 [hbm:s0], s1  }
0x48: {  	s0 =	simm.s32 @!p0 $0x1  }
0x49: {  	_ =	swait.ge @!p0 [sflag:s0], s1  }
0x4a: {  	s1 =	ssub.s32 @!p0 $0x0, s1;
	[sflag:s0] =	ssyncset.done @!p0 $0x0  }
0x4b: {  	[sflag:s0] =	ssyncadd.s32 @!p0 s1  }
0x4c: {  	[bflag:$0x3] =	sbarrier.arrive $0xFFFF  }
0x4d: {  	_ =	shalt  }

</sc_bundles>
